<compile_context>
chip_gen: v7x
topology: tpu7x:2x2x1
jax: 0.10.2.dev20260603
libtpu: 0.0.44.dev20260713+nightly
codegen_flags: <defaults>
</compile_context>

<pallas_src>
import functools
import math

import jax
import jax.numpy as jnp
import numpy as np
from jax import lax
from jax.experimental import pallas as pl
from jax.experimental.pallas import tpu as pltpu, tpu_sc as plsc

L = 2048
D_MODEL = 768
N_HEADS = 12
D_HEAD = 64
N_SEL = 512
R = 256
NEG = -1e30
HALF = N_SEL // 2


def _build_counts_t() -> np.ndarray:
    try:
        cpu = jax.devices("cpu")[0]
        ctx = jax.default_device(cpu)
    except Exception:
        import contextlib
        ctx = contextlib.nullcontext()
    with ctx:
        idx = np.asarray(
            jax.random.randint(jax.random.key(42), (L, N_SEL), 0, L))
    counts = np.zeros((L, L), np.float32)
    np.add.at(counts, (np.arange(L)[:, None], idx), 1.0)
    return np.ascontiguousarray(counts.T)


_COUNTS_T = _build_counts_t()


def _proj_body(xq_ref, xk_ref, xv_ref, wq_ref, bq_ref, wk_ref, bk_ref,
               wv_ref, bv_ref, q_ref, k_ref, v_ref):
    q_ref[...] = (
        jnp.dot(xq_ref[...], wq_ref[...], preferred_element_type=jnp.float32)
        + bq_ref[...])
    k_ref[...] = (
        jnp.dot(xk_ref[...], wk_ref[...], preferred_element_type=jnp.float32)
        + bk_ref[...])
    v_ref[...] = (
        jnp.dot(xv_ref[...], wv_ref[...], preferred_element_type=jnp.float32)
        + bv_ref[...])


def _measure_body(q_ref, k_ref, ct_ref, m_ref):
    qt = pl.program_id(0)
    c = ct_ref[...]
    sampled = c > 0.0
    for h in range(N_HEADS):
        kh = k_ref[:, h * D_HEAD:(h + 1) * D_HEAD]
        qh = q_ref[:, h * D_HEAD:(h + 1) * D_HEAD]
        s_t = jax.lax.dot_general(
            kh, qh, (((1,), (1,)), ((), ())),
            preferred_element_type=jnp.float32)
        mx = jnp.max(jnp.where(sampled, s_t, NEG), axis=0)
        sm = jnp.sum(s_t * c, axis=0)
        m_ref[h, pl.ds(qt * R, R)] = mx - sm * (1.0 / L)


def _scan_rows(x):
    incl = x
    sh = 1
    while sh < L:
        incl = incl + jnp.concatenate(
            [jnp.zeros((N_HEADS, sh), jnp.float32), incl[:, :L - sh]], axis=1)
        sh *= 2
    return incl


def _select_body(m_ref, sel_ref, pos_ref, selb_ref, posb_ref):
    m = m_ref[...]
    lo = jnp.min(m, axis=1, keepdims=True) - 1.0
    hi = jnp.max(m, axis=1, keepdims=True)
    kf = float(N_SEL)

    def step(_, carry):
        lo, hi = carry
        mid = 0.5 * (lo + hi)
        cnt = jnp.sum((m > mid).astype(jnp.float32), axis=1, keepdims=True)
        big = cnt >= kf
        return jnp.where(big, mid, lo), jnp.where(big, hi, mid)

    lo, hi = jax.lax.fori_loop(0, 60, step, (lo, hi))
    thr = jnp.max(jnp.where(m <= hi, m, NEG), axis=1, keepdims=True)
    gt = (m > thr).astype(jnp.float32)
    need = kf - jnp.sum(gt, axis=1, keepdims=True)
    tie = (m == thr).astype(jnp.float32)
    tie_excl = _scan_rows(tie) - tie
    sel = gt + tie * (tie_excl < need).astype(jnp.float32)
    sel_ref[...] = sel
    pos = _scan_rows(sel) - sel
    pos_ref[...] = pos
    col = jax.lax.broadcasted_iota(jnp.int32, (D_MODEL, N_HEADS), 0)
    hid = jax.lax.broadcasted_iota(jnp.int32, (D_MODEL, N_HEADS), 1)
    expand = (col // D_HEAD == hid).astype(jnp.float32)
    dn = (((0,), (1,)), ((), ()))
    selb_ref[...] = jax.lax.dot_general(
        sel, expand, dn, precision=jax.lax.Precision.HIGHEST,
        preferred_element_type=jnp.float32)
    posb_ref[...] = jax.lax.dot_general(
        pos, expand, dn, precision=jax.lax.Precision.HIGHEST,
        preferred_element_type=jnp.float32)


_SC_MESH = plsc.VectorSubcoreMesh(core_axis_name="c", subcore_axis_name="s")


@functools.partial(
    pl.kernel, mesh=_SC_MESH,
    compiler_params=pltpu.CompilerParams(needs_layout_passes=False),
    out_type=jax.ShapeDtypeStruct((N_HEADS, N_SEL, 2 * D_HEAD),
                                  jnp.float32),
    scratch_types=[
        pltpu.VMEM((L,), jnp.float32),
        pltpu.VMEM((L,), jnp.float32),
        pltpu.VMEM((HALF,), jnp.float32),
        pltpu.VMEM((HALF,), jnp.int32),
        pltpu.VMEM((HALF,), jnp.int32),
        pltpu.VMEM((HALF, 2 * D_HEAD), jnp.float32),
        pltpu.SemaphoreType.DMA,
    ],
)
def _sc_gather(sel_hbm, pos_hbm, q2_hbm, qsel_hbm,
               sel_v, pos_v, idxf_v, idx_v, gidx_v, rows_v, sem):
    wid = lax.axis_index("s") * 2 + lax.axis_index("c")
    h = wid // 2
    hf = wid % 2

    @pl.when(h < N_HEADS)
    def _():
        pltpu.sync_copy(sel_hbm.at[h], sel_v)
        pltpu.sync_copy(pos_hbm.at[h], pos_v)
        base = jnp.float32(hf * HALF)

        def body(i, _):
            s16 = sel_v[pl.ds(i * 16, 16)]
            p16 = pos_v[pl.ds(i * 16, 16)]
            i16 = lax.iota(jnp.int32, 16) + i * 16
            m = (s16 > 0.5) & (p16 >= base) & (p16 < base + HALF)
            dst = p16.astype(jnp.int32) - hf * HALF
            plsc.store_scatter(idxf_v, [dst],
                               (i16 * N_HEADS + h).astype(jnp.float32),
                               mask=m)
            return 0

        lax.fori_loop(0, L // 16, body, 0)

        def conv(i, _):
            v = idxf_v[pl.ds(i * 16, 16)].astype(jnp.int32)
            idx_v[pl.ds(i * 16, 16)] = v
            gidx_v[pl.ds(i * 16, 16)] = v // 2
            return 0

        lax.fori_loop(0, HALF // 16, conv, 0)
        for j in range(HALF // 128):
            pltpu.async_copy(
                q2_hbm.at[gidx_v.at[pl.ds(j * 128, 128)]],
                rows_v.at[pl.ds(j * 128, 128)], sem).wait()
        pltpu.sync_copy(rows_v, qsel_hbm.at[h, pl.ds(hf * HALF, HALF)])


def _attn_body(qs_ref, k_ref, v_ref, selb_ref, posb_ref, out_ref):
    scale = 1.0 / math.sqrt(D_HEAD)
    rid = jax.lax.broadcasted_iota(jnp.int32, (1, N_SEL), 1)
    for hh in range(2):
        sl = slice(hh * D_HEAD, (hh + 1) * D_HEAD)
        qs = qs_ref[hh][:, sl]
        s = jax.lax.dot_general(
            qs, k_ref[:, sl], (((1,), (1,)), ((), ())),
            preferred_element_type=jnp.float32) * scale
        mx = jnp.max(s, axis=1, keepdims=True)
        e = jnp.exp(s - mx)
        den = jnp.sum(e, axis=1, keepdims=True)
        attn = jnp.dot(e, v_ref[:, sl],
                       preferred_element_type=jnp.float32) / den
        selc = selb_ref[:, hh * D_HEAD:hh * D_HEAD + 1]
        posc = posb_ref[:, hh * D_HEAD:hh * D_HEAD + 1]
        g = (posc.astype(jnp.int32) == rid).astype(jnp.float32) * selc
        scat = jnp.dot(g, attn, preferred_element_type=jnp.float32)
        vmean = jnp.mean(v_ref[:, sl], axis=0, keepdims=True)
        out_ref[:, sl] = scat + vmean * (1.0 - selc)


def kernel(query, key, value, Wq, bq, Wk, bk, Wv, bv):
    xq = query[0]
    xk = key[0]
    xv = value[0]
    b2 = lambda b: b.reshape(1, D_MODEL)
    counts_t = jnp.asarray(_COUNTS_T)

    q, k, v = pl.pallas_call(
        _proj_body,
        grid=(L // R,),
        in_specs=[
            pl.BlockSpec((R, D_MODEL), lambda i: (i, 0)),
            pl.BlockSpec((R, D_MODEL), lambda i: (i, 0)),
            pl.BlockSpec((R, D_MODEL), lambda i: (i, 0)),
            pl.BlockSpec((D_MODEL, D_MODEL), lambda i: (0, 0)),
            pl.BlockSpec((1, D_MODEL), lambda i: (0, 0)),
            pl.BlockSpec((D_MODEL, D_MODEL), lambda i: (0, 0)),
            pl.BlockSpec((1, D_MODEL), lambda i: (0, 0)),
            pl.BlockSpec((D_MODEL, D_MODEL), lambda i: (0, 0)),
            pl.BlockSpec((1, D_MODEL), lambda i: (0, 0)),
        ],
        out_specs=[
            pl.BlockSpec((R, D_MODEL), lambda i: (i, 0)),
            pl.BlockSpec((R, D_MODEL), lambda i: (i, 0)),
            pl.BlockSpec((R, D_MODEL), lambda i: (i, 0)),
        ],
        out_shape=[jax.ShapeDtypeStruct((L, D_MODEL), jnp.float32)] * 3,
    )(xq, xk, xv, Wq, b2(bq), Wk, b2(bk), Wv, b2(bv))

    measure = pl.pallas_call(
        _measure_body,
        grid=(L // R,),
        in_specs=[
            pl.BlockSpec((R, D_MODEL), lambda i: (i, 0)),
            pl.BlockSpec((L, D_MODEL), lambda i: (0, 0)),
            pl.BlockSpec((L, R), lambda i: (0, i)),
        ],
        out_specs=pl.BlockSpec((N_HEADS, L), lambda i: (0, 0)),
        out_shape=jax.ShapeDtypeStruct((N_HEADS, L), jnp.float32),
    )(q, k, counts_t)

    sel, pos, selb, posb = pl.pallas_call(
        _select_body,
        out_shape=[
            jax.ShapeDtypeStruct((N_HEADS, L), jnp.float32),
            jax.ShapeDtypeStruct((N_HEADS, L), jnp.float32),
            jax.ShapeDtypeStruct((L, D_MODEL), jnp.float32),
            jax.ShapeDtypeStruct((L, D_MODEL), jnp.float32),
        ],
    )(measure)

    q2 = q.reshape(L * N_HEADS // 2, 2 * D_HEAD)
    q_sel = _sc_gather(sel, pos, q2)

    out = pl.pallas_call(
        _attn_body,
        grid=(N_HEADS // 2,),
        in_specs=[
            pl.BlockSpec((2, N_SEL, 2 * D_HEAD), lambda h: (h, 0, 0)),
            pl.BlockSpec((L, 2 * D_HEAD), lambda h: (0, h)),
            pl.BlockSpec((L, 2 * D_HEAD), lambda h: (0, h)),
            pl.BlockSpec((L, 2 * D_HEAD), lambda h: (0, h)),
            pl.BlockSpec((L, 2 * D_HEAD), lambda h: (0, h)),
        ],
        out_specs=pl.BlockSpec((L, 2 * D_HEAD), lambda h: (0, h)),
        out_shape=jax.ShapeDtypeStruct((L, D_MODEL), jnp.float32),
    )(q_sel, k, v, selb, posb)

    return out[None]

# --- scband reference (transcript-rebuilt; emitter-appended) ---
"""Pipeline reference for scband-protrait-23656679867663 (READ-ONLY COPY).

The authoritative reference and input builder live on the scoring server;
editing this copy changes nothing except your own understanding.
"""

import jax, jax.numpy as jnp
import numpy as np
import math

D_MODEL = 768
N_HEADS = 12
D_HEAD = D_MODEL // N_HEADS


def setup_inputs(seed: int = 0) -> dict:
    key = jax.random.key(seed)
    ks = jax.random.split(key, 9)
    b, l = 1, 2048
    query = jax.random.normal(ks[0], (b, l, D_MODEL), dtype=jnp.float32)
    key_in = jax.random.normal(ks[1], (b, l, D_MODEL), dtype=jnp.float32)
    value = jax.random.normal(ks[2], (b, l, D_MODEL), dtype=jnp.float32)
    s = 1.0 / math.sqrt(D_MODEL)
    Wq = jax.random.normal(ks[3], (D_MODEL, D_MODEL), dtype=jnp.float32) * s
    bq = jnp.zeros((D_MODEL,), dtype=jnp.float32)
    Wk = jax.random.normal(ks[4], (D_MODEL, D_MODEL), dtype=jnp.float32) * s
    bk = jnp.zeros((D_MODEL,), dtype=jnp.float32)
    Wv = jax.random.normal(ks[5], (D_MODEL, D_MODEL), dtype=jnp.float32) * s
    bv = jnp.zeros((D_MODEL,), dtype=jnp.float32)
    return {"query": query, "key": key_in, "value": value,
            "Wq": Wq, "bq": bq, "Wk": Wk, "bk": bk, "Wv": Wv, "bv": bv}


def reference(query, key, value, Wq, bq, Wk, bk, Wv, bv):
    b, l, _ = query.shape
    h, dh = N_HEADS, D_HEAD
    # input projections, split heads, transpose to (b, h, l, dh)
    q = (query @ Wq + bq).reshape(b, l, h, dh).transpose(0, 2, 1, 3)
    k = (key @ Wk + bk).reshape(b, l, h, dh).transpose(0, 2, 1, 3)
    v = (value @ Wv + bv).reshape(b, l, h, dh).transpose(0, 2, 1, 3)

    l_q = l
    l_k = l
    down_sample_k = l_k // 4
    n_query = l_q // 4

    # prob_q_k: sample down_sample_k random keys per query (torch.randint equivalent,
    # shared across batch and heads), score, then pick top n_query 'active' queries.
    idx_key = jax.random.randint(jax.random.key(42), (l_q, down_sample_k), 0, l_k)

    # Full scores then gather is mathematically identical to the torch
    # expand-then-gather-then-matmul path.
    S = jnp.einsum('bhqd,bhkd->bhqk', q, k)  # [b,h,l_q,l_k]
    mqk = jnp.take_along_axis(
        S, jnp.broadcast_to(idx_key[None, None, :, :], (b, h, l_q, down_sample_k)), axis=3)
    # sparsity measure: max - sum/l_key (note: torch divides the sampled sum by l_key)
    measure = mqk.max(axis=-1) - mqk.sum(axis=-1) / l_k  # [b,h,l_q]
    _, idx_query = jax.lax.top_k(measure, n_query)  # [b,h,n_query]

    # gather selected query rows of the score matrix (== q_sel @ k^T)
    sim = jnp.take_along_axis(
        S, jnp.broadcast_to(idx_query[:, :, :, None], (b, h, n_query, l_k)), axis=2)
    scale = 1.0 / math.sqrt(dh)
    sim = sim * scale

    # uniform (mean-value) init for non-selected queries
    value_uniform = jnp.broadcast_to(v.mean(axis=2)[:, :, None, :], (b, h, l_q, dh))

    a_map = jax.nn.softmax(sim, axis=-1)
    out_sel = jnp.einsum('bhqk,bhkd->bhqd', a_map, v)  # [b,h,n_query,dh]

    barr = jnp.arange(b)[:, None, None]
    harr = jnp.arange(h)[None, :, None]
    value_uniform = value_uniform.at[barr, harr, idx_query, :].set(out_sel)

    out = value_uniform.transpose(0, 2, 1, 3).reshape(b, l, h * dh)
    return out

if __name__ == "__main__":
    import jax
    _d = setup_inputs()
    print(jax.jit(kernel)(*tuple(_d.values())))

</pallas_src>

<mosaic_0001>
#map = affine_map<(d0, d1) -> (0, 0)>
#map1 = affine_map<(d0, d1) -> (0, 0, 0)>
module attributes {stable_mosaic.version = 14 : i64} {
  func.func @_sc_gather(%arg0: i32, %arg1: i32, %arg2: memref<12x2048xf32, #tpu.memory_space<hbm>>, %arg3: memref<12x2048xf32, #tpu.memory_space<hbm>>, %arg4: memref<12288x128xf32, #tpu.memory_space<hbm>>, %arg5: memref<12x512x128xf32, #tpu.memory_space<hbm>>, %arg6: memref<2048xf32, #tpu.memory_space<vmem>>, %arg7: memref<2048xf32, #tpu.memory_space<vmem>>, %arg8: memref<256xf32, #tpu.memory_space<vmem>>, %arg9: memref<256xi32, #tpu.memory_space<vmem>>, %arg10: memref<256xi32, #tpu.memory_space<vmem>>, %arg11: memref<256x128xf32, #tpu.memory_space<vmem>>, %arg12: memref<!tpu.dma_semaphore, #tpu.memory_space<semaphore_mem>>) attributes {dimension_semantics = [#tpu.dimension_semantics<core_parallel>, #tpu.dimension_semantics<subcore_parallel>], iteration_bounds = array<i64: 2, 16>, scalar_prefetch = 0 : i64, scratch_operands = 7 : i64, tpu.core_type = #tpu.core_type<sc_vector_subcore>, window_params = [{transform_indices = #map}, {transform_indices = #map}, {transform_indices = #map}, {transform_indices = #map1}]} {
    %mul3A = arith.constant 2 : i32
    %mul3A_0 = arith.muli %arg1, %mul3A : i32
    %add3A = arith.addi %mul3A_0, %arg0 : i32
    %jit3A = arith.constant 2 : i32
    %div3A = arith.divsi %add3A, %jit3A : i32
    %sign3A = arith.constant 0 : i32
    %sign3A_1 = arith.cmpi sgt, %add3A, %sign3A : i32
    %sign3A_2 = arith.extui %sign3A_1 : i1 to i32
    %sign3A_3 = arith.constant 0 : i32
    %sign3A_4 = arith.cmpi slt, %add3A, %sign3A_3 : i32
    %sign3A_5 = arith.extui %sign3A_4 : i1 to i32
    %sign3A_6 = arith.subi %sign3A_2, %sign3A_5 : i32
    %sign3A_7 = arith.constant 0 : i32
    %sign3A_8 = arith.cmpi sgt, %jit3A, %sign3A_7 : i32
    %sign3A_9 = arith.extui %sign3A_8 : i1 to i32
    %sign3A_10 = arith.constant 0 : i32
    %sign3A_11 = arith.cmpi slt, %jit3A, %sign3A_10 : i32
    %sign3A_12 = arith.extui %sign3A_11 : i1 to i32
    %sign3A_13 = arith.subi %sign3A_9, %sign3A_12 : i32
    %ne3A = arith.cmpi ne, %sign3A_6, %sign3A_13 : i32
    %rem3A = arith.remsi %add3A, %jit3A : i32
    %ne3A_14 = arith.constant 0 : i32
    %ne3A_15 = arith.cmpi ne, %rem3A, %ne3A_14 : i32
    %and3A = arith.andi %ne3A, %ne3A_15 : i1
    %sub3A = arith.constant 1 : i32
    %sub3A_16 = arith.subi %div3A, %sub3A : i32
    %select_n3A = arith.select %and3A, %sub3A_16, %div3A : i32
    %jit3A_17 = arith.constant 2 : i32
    %eq3A = arith.constant 0 : i32
    %eq3A_18 = arith.cmpi eq, %jit3A_17, %eq3A : i32
    %jit3A_19 = arith.constant 1 : i32
    %select_n3A_20 = arith.select %eq3A_18, %jit3A_19, %jit3A_17 : i32
    %rem3A_21 = arith.remsi %add3A, %select_n3A_20 : i32
    %ne3A_22 = arith.constant 0 : i32
    %ne3A_23 = arith.cmpi ne, %rem3A_21, %ne3A_22 : i32
    %lt3A = arith.constant 0 : i32
    %lt3A_24 = arith.cmpi slt, %rem3A_21, %lt3A : i32
    %lt3A_25 = arith.constant 0 : i32
    %lt3A_26 = arith.cmpi slt, %select_n3A_20, %lt3A_25 : i32
    %ne3A_27 = arith.xori %lt3A_24, %lt3A_26 : i1
    %and3A_28 = arith.andi %ne3A_27, %ne3A_23 : i1
    %add3A_29 = arith.addi %rem3A_21, %select_n3A_20 : i32
    %select_n3A_30 = arith.select %and3A_28, %add3A_29, %rem3A_21 : i32
    %lt3A_31 = arith.constant 12 : i32
    %lt3A_32 = arith.cmpi slt, %select_n3A, %lt3A_31 : i32
    %convert_element_type3A = arith.extui %lt3A_32 : i1 to i32
    %cond3A = arith.constant 0 : i32
    %cond3A_33 = arith.cmpi ne, %convert_element_type3A, %cond3A : i32
    scf.if %cond3A_33 {
      "tpu.region"() ({
        %run_scoped3A = tpu.sem_alloc : memref<!tpu.dma_semaphore, #tpu.memory_space<semaphore_mem>>
        %dma_start3A_82 = arith.constant 0 : i32
        %dma_start3A_83 = tpu.memref_slice %arg2[%select_n3A, %dma_start3A_82] : memref<12x2048xf32, #tpu.memory_space<hbm>> -> memref<1x2048xf32, #tpu.memory_space<hbm>>
        %dma_start3A_84 = tpu.memref_squeeze %dma_start3A_83 : memref<1x2048xf32, #tpu.memory_space<hbm>> -> memref<2048xf32, #tpu.memory_space<hbm>>
        %dma_start3A_85 = arith.constant 0 : i32
        %dma_start3A_86 = tpu.memref_slice %arg2[%select_n3A, %dma_start3A_85] : memref<12x2048xf32, #tpu.memory_space<hbm>> -> memref<1x2048xf32, #tpu.memory_space<hbm>>
        %dma_start3A_87 = tpu.memref_squeeze %dma_start3A_86 : memref<1x2048xf32, #tpu.memory_space<hbm>> -> memref<2048xf32, #tpu.memory_space<hbm>>
        tpu.enqueue_dma source(%dma_start3A_87 : memref<2048xf32, #tpu.memory_space<hbm>>) target(%arg6 : memref<2048xf32, #tpu.memory_space<vmem>>) target_semaphore(%run_scoped3A : memref<!tpu.dma_semaphore, #tpu.memory_space<semaphore_mem>>)
        %dma_wait3A_88 = arith.constant 0 : i32
        %dma_wait3A_89 = tpu.memref_slice %arg2[%select_n3A, %dma_wait3A_88] : memref<12x2048xf32, #tpu.memory_space<hbm>> -> memref<1x2048xf32, #tpu.memory_space<hbm>>
        %dma_wait3A_90 = tpu.memref_squeeze %dma_wait3A_89 : memref<1x2048xf32, #tpu.memory_space<hbm>> -> memref<2048xf32, #tpu.memory_space<hbm>>
        %dma_wait3A_91 = arith.constant 0 : i32
        %dma_wait3A_92 = tpu.memref_slice %arg2[%select_n3A, %dma_wait3A_91] : memref<12x2048xf32, #tpu.memory_space<hbm>> -> memref<1x2048xf32, #tpu.memory_space<hbm>>
        %dma_wait3A_93 = tpu.memref_squeeze %dma_wait3A_92 : memref<1x2048xf32, #tpu.memory_space<hbm>> -> memref<2048xf32, #tpu.memory_space<hbm>>
        tpu.wait_dma2 semaphore(%run_scoped3A : memref<!tpu.dma_semaphore, #tpu.memory_space<semaphore_mem>>) src(%dma_wait3A_93 : memref<2048xf32, #tpu.memory_space<hbm>>) dst(%arg6 : memref<2048xf32, #tpu.memory_space<vmem>>)
        tpu.yield
      }) : () -> ()
      "tpu.region"() ({
        %run_scoped3A = tpu.sem_alloc : memref<!tpu.dma_semaphore, #tpu.memory_space<semaphore_mem>>
        %dma_start3A_82 = arith.constant 0 : i32
        %dma_start3A_83 = tpu.memref_slice %arg3[%select_n3A, %dma_start3A_82] : memref<12x2048xf32, #tpu.memory_space<hbm>> -> memref<1x2048xf32, #tpu.memory_space<hbm>>
        %dma_start3A_84 = tpu.memref_squeeze %dma_start3A_83 : memref<1x2048xf32, #tpu.memory_space<hbm>> -> memref<2048xf32, #tpu.memory_space<hbm>>
        %dma_start3A_85 = arith.constant 0 : i32
        %dma_start3A_86 = tpu.memref_slice %arg3[%select_n3A, %dma_start3A_85] : memref<12x2048xf32, #tpu.memory_space<hbm>> -> memref<1x2048xf32, #tpu.memory_space<hbm>>
        %dma_start3A_87 = tpu.memref_squeeze %dma_start3A_86 : memref<1x2048xf32, #tpu.memory_space<hbm>> -> memref<2048xf32, #tpu.memory_space<hbm>>
        tpu.enqueue_dma source(%dma_start3A_87 : memref<2048xf32, #tpu.memory_space<hbm>>) target(%arg7 : memref<2048xf32, #tpu.memory_space<vmem>>) target_semaphore(%run_scoped3A : memref<!tpu.dma_semaphore, #tpu.memory_space<semaphore_mem>>)
        %dma_wait3A_88 = arith.constant 0 : i32
        %dma_wait3A_89 = tpu.memref_slice %arg3[%select_n3A, %dma_wait3A_88] : memref<12x2048xf32, #tpu.memory_space<hbm>> -> memref<1x2048xf32, #tpu.memory_space<hbm>>
        %dma_wait3A_90 = tpu.memref_squeeze %dma_wait3A_89 : memref<1x2048xf32, #tpu.memory_space<hbm>> -> memref<2048xf32, #tpu.memory_space<hbm>>
        %dma_wait3A_91 = arith.constant 0 : i32
        %dma_wait3A_92 = tpu.memref_slice %arg3[%select_n3A, %dma_wait3A_91] : memref<12x2048xf32, #tpu.memory_space<hbm>> -> memref<1x2048xf32, #tpu.memory_space<hbm>>
        %dma_wait3A_93 = tpu.memref_squeeze %dma_wait3A_92 : memref<1x2048xf32, #tpu.memory_space<hbm>> -> memref<2048xf32, #tpu.memory_space<hbm>>
        tpu.wait_dma2 semaphore(%run_scoped3A : memref<!tpu.dma_semaphore, #tpu.memory_space<semaphore_mem>>) src(%dma_wait3A_93 : memref<2048xf32, #tpu.memory_space<hbm>>) dst(%arg7 : memref<2048xf32, #tpu.memory_space<vmem>>)
        tpu.yield
      }) : () -> ()
      %mul3A_34 = arith.constant 256 : i32
      %mul3A_35 = arith.muli %select_n3A_30, %mul3A_34 : i32
      %convert_element_type3A_36 = arith.sitofp %mul3A_35 : i32 to f32
      %scan3A = arith.constant 0 : i32
      %scan3A_37 = arith.constant 0 : i32
      %scan3A_38 = arith.constant 128 : i32
      %scan3A_39 = arith.addi %scan3A_37, %scan3A_38 : i32
      %scan3A_40 = arith.constant 1 : i32
      %scan3A_41 = scf.for %scan3A_82 = %scan3A_37 to %scan3A_39 step %scan3A_40 iter_args(%scan3A_83 = %scan3A) -> (i32)  : i32 {
        %mul3A_84 = arith.constant 16 : i32
        %mul3A_85 = arith.muli %scan3A_82, %mul3A_84 : i32
        %get3A = arith.index_cast %mul3A_85 : i32 to index
        %get3A_86 = tpu.vector_load %arg6[%get3A] {strides = array<i32>} : memref<2048xf32, #tpu.memory_space<vmem>>, vector<16xf32>,
        %mul3A_87 = arith.constant 16 : i32
        %mul3A_88 = arith.muli %scan3A_82, %mul3A_87 : i32
        %get3A_89 = arith.index_cast %mul3A_88 : i32 to index
        %get3A_90 = tpu.vector_load %arg7[%get3A_89] {strides = array<i32>} : memref<2048xf32, #tpu.memory_space<vmem>>, vector<16xf32>,
        %iota3A = tpu.iota {dimensions = array<i32: 0>} : vector<16xi32>
        %mul3A_91 = arith.constant 16 : i32
        %mul3A_92 = arith.muli %scan3A_82, %mul3A_91 : i32
        %add3A_93 = vector.broadcast %mul3A_92 : i32 to vector<16xi32>
        %add3A_94 = arith.addi %iota3A, %add3A_93 : vector<16xi32>
        %gt3A = arith.constant 5.000000e-01 : f32
        %gt3A_95 = vector.broadcast %gt3A : f32 to vector<16xf32>
        %gt3A_96 = arith.cmpf ogt, %get3A_86, %gt3A_95 : vector<16xf32>
        %ge3A = vector.broadcast %convert_element_type3A_36 : f32 to vector<16xf32>
        %ge3A_97 = arith.cmpf oge, %get3A_90, %ge3A : vector<16xf32>
        %and3A_98 = arith.andi %gt3A_96, %ge3A_97 : vector<16xi1>
        %add3A_99 = arith.constant 2.560000e+02 : f32
        %add3A_100 = arith.addf %convert_element_type3A_36, %add3A_99 : f32
        %lt3A_101 = vector.broadcast %add3A_100 : f32 to vector<16xf32>
        %lt3A_102 = arith.cmpf olt, %get3A_90, %lt3A_101 : vector<16xf32>
        %and3A_103 = arith.andi %and3A_98, %lt3A_102 : vector<16xi1>
        %convert_element_type3A_104 = arith.fptosi %get3A_90 : vector<16xf32> to vector<16xi32>
        %mul3A_105 = arith.constant 256 : i32
        %mul3A_106 = arith.muli %select_n3A_30, %mul3A_105 : i32
        %sub3A_107 = vector.broadcast %mul3A_106 : i32 to vector<16xi32>
        %sub3A_108 = arith.subi %convert_element_type3A_104, %sub3A_107 : vector<16xi32>
        %mul3A_109 = arith.constant 12 : i32
        %mul3A_110 = vector.broadcast %mul3A_109 : i32 to vector<16xi32>
        %mul3A_111 = arith.muli %add3A_94, %mul3A_110 : vector<16xi32>
        %add3A_112 = vector.broadcast %select_n3A : i32 to vector<16xi32>
        %add3A_113 = arith.addi %mul3A_111, %add3A_112 : vector<16xi32>
        %convert_element_type3A_114 = arith.sitofp %add3A_113 : vector<16xi32> to vector<16xf32>
        tpu.vector_store_idx %arg8[%sub3A_108], %convert_element_type3A_114 masked %and3A_103 : memref<256xf32, #tpu.memory_space<vmem>>[vector<16xi32>], vector<16xf32>, vector<16xi1>
        %scan3A_115 = arith.constant 0 : i32
        scf.yield %scan3A_115 : i32
      }
      %scan3A_42 = arith.constant 128 : i32
      %scan3A_43 = arith.constant 0 : i32
      %scan3A_44 = arith.constant 0 : i32
      %scan3A_45 = arith.constant 16 : i32
      %scan3A_46 = arith.addi %scan3A_44, %scan3A_45 : i32
      %scan3A_47 = arith.constant 1 : i32
      %scan3A_48 = scf.for %scan3A_82 = %scan3A_44 to %scan3A_46 step %scan3A_47 iter_args(%scan3A_83 = %scan3A_43) -> (i32)  : i32 {
        %mul3A_84 = arith.constant 16 : i32
        %mul3A_85 = arith.muli %scan3A_82, %mul3A_84 : i32
        %get3A = arith.index_cast %mul3A_85 : i32 to index
        %get3A_86 = tpu.vector_load %arg8[%get3A] {strides = array<i32>} : memref<256xf32, #tpu.memory_space<vmem>>, vector<16xf32>,
        %convert_element_type3A_87 = arith.fptosi %get3A_86 : vector<16xf32> to vector<16xi32>
        %mul3A_88 = arith.constant 16 : i32
        %mul3A_89 = arith.muli %scan3A_82, %mul3A_88 : i32
        %swap3A = arith.index_cast %mul3A_89 : i32 to index
        %swap3A_90 = tpu.vector_load %arg9[%swap3A] {strides = array<i32>} : memref<256xi32, #tpu.memory_space<vmem>>, vector<16xi32>,
        tpu.vector_store %arg9[%swap3A], %convert_element_type3A_87 {strides = array<i32>} : memref<256xi32, #tpu.memory_space<vmem>>, vector<16xi32>,
        %jit3A_91 = arith.constant 2 : i32
        %div3A_92 = vector.broadcast %jit3A_91 : i32 to vector<16xi32>
        %div3A_93 = arith.divsi %convert_element_type3A_87, %div3A_92 : vector<16xi32>
        %sign3A_94 = arith.constant 0 : i32
        %sign3A_95 = vector.broadcast %sign3A_94 : i32 to vector<16xi32>
        %sign3A_96 = arith.cmpi sgt, %convert_element_type3A_87, %sign3A_95 : vector<16xi32>
        %sign3A_97 = arith.extui %sign3A_96 : vector<16xi1> to vector<16xi32>
        %sign3A_98 = arith.constant 0 : i32
        %sign3A_99 = vector.broadcast %sign3A_98 : i32 to vector<16xi32>
        %sign3A_100 = arith.cmpi slt, %convert_element_type3A_87, %sign3A_99 : vector<16xi32>
        %sign3A_101 = arith.extui %sign3A_100 : vector<16xi1> to vector<16xi32>
        %sign3A_102 = arith.subi %sign3A_97, %sign3A_101 : vector<16xi32>
        %sign3A_103 = arith.constant 0 : i32
        %sign3A_104 = arith.cmpi sgt, %jit3A_91, %sign3A_103 : i32
        %sign3A_105 = arith.extui %sign3A_104 : i1 to i32
        %sign3A_106 = arith.constant 0 : i32
        %sign3A_107 = arith.cmpi slt, %jit3A_91, %sign3A_106 : i32
        %sign3A_108 = arith.extui %sign3A_107 : i1 to i32
        %sign3A_109 = arith.subi %sign3A_105, %sign3A_108 : i32
        %ne3A_110 = vector.broadcast %sign3A_109 : i32 to vector<16xi32>
        %ne3A_111 = arith.cmpi ne, %sign3A_102, %ne3A_110 : vector<16xi32>
        %rem3A_112 = vector.broadcast %jit3A_91 : i32 to vector<16xi32>
        %rem3A_113 = arith.remsi %convert_element_type3A_87, %rem3A_112 : vector<16xi32>
        %ne3A_114 = arith.constant 0 : i32
        %ne3A_115 = vector.broadcast %ne3A_114 : i32 to vector<16xi32>
        %ne3A_116 = arith.cmpi ne, %rem3A_113, %ne3A_115 : vector<16xi32>
        %and3A_117 = arith.andi %ne3A_111, %ne3A_116 : vector<16xi1>
        %sub3A_118 = arith.constant 1 : i32
        %sub3A_119 = vector.broadcast %sub3A_118 : i32 to vector<16xi32>
        %sub3A_120 = arith.subi %div3A_93, %sub3A_119 : vector<16xi32>
        %select_n3A_121 = arith.select %and3A_117, %sub3A_120, %div3A_93 : vector<16xi1>, vector<16xi32>
        %mul3A_122 = arith.constant 16 : i32
        %mul3A_123 = arith.muli %scan3A_82, %mul3A_122 : i32
        %swap3A_124 = arith.index_cast %mul3A_123 : i32 to index
        %swap3A_125 = tpu.vector_load %arg10[%swap3A_124] {strides = array<i32>} : memref<256xi32, #tpu.memory_space<vmem>>, vector<16xi32>,
        tpu.vector_store %arg10[%swap3A_124], %select_n3A_121 {strides = array<i32>} : memref<256xi32, #tpu.memory_space<vmem>>, vector<16xi32>,
        %scan3A_126 = arith.constant 0 : i32
        scf.yield %scan3A_126 : i32
      }
      %scan3A_49 = arith.constant 16 : i32
      %dma_start3A = arith.constant 0 : i32
      %dma_start3A_50 = arith.constant 0 : i32
      %dma_start3A_51 = tpu.memref_slice %arg11[%dma_start3A, %dma_start3A_50] : memref<256x128xf32, #tpu.memory_space<vmem>> -> memref<128x128xf32, #tpu.memory_space<vmem>>
      %dma_start3A_52 = arith.constant 0 : i32
      %dma_start3A_53 = tpu.memref_slice %arg10[%dma_start3A_52] : memref<256xi32, #tpu.memory_space<vmem>> -> memref<128xi32, #tpu.memory_space<vmem>>
      %dma_start3A_54 = arith.constant 0 : i32
      %dma_start3A_55 = arith.constant 0 : i32
      %dma_start3A_56 = tpu.memref_slice %arg4[%dma_start3A_54, %dma_start3A_55] : memref<12288x128xf32, #tpu.memory_space<hbm>> -> memref<12288x128xf32, #tpu.memory_space<hbm>>
      tpu.enqueue_indirect_dma source(%dma_start3A_56 : memref<12288x128xf32, #tpu.memory_space<hbm>>) target(%dma_start3A_51 : memref<128x128xf32, #tpu.memory_space<vmem>>) offsets(%dma_start3A_53 : memref<128xi32, #tpu.memory_space<vmem>>) semaphore(%arg12 : memref<!tpu.dma_semaphore, #tpu.memory_space<semaphore_mem>>)
      %dma_wait3A = arith.constant 0 : i32
      %dma_wait3A_57 = arith.constant 0 : i32
      %dma_wait3A_58 = tpu.memref_slice %arg11[%dma_wait3A, %dma_wait3A_57] : memref<256x128xf32, #tpu.memory_space<vmem>> -> memref<128x128xf32, #tpu.memory_space<vmem>>
      %dma_wait3A_59 = arith.constant 0 : i32
      %dma_wait3A_60 = tpu.memref_slice %arg10[%dma_wait3A_59] : memref<256xi32, #tpu.memory_space<vmem>> -> memref<128xi32, #tpu.memory_space<vmem>>
      %dma_wait3A_61 = arith.constant 0 : i32
      %dma_wait3A_62 = arith.constant 0 : i32
      %dma_wait3A_63 = tpu.memref_slice %arg4[%dma_wait3A_61, %dma_wait3A_62] : memref<12288x128xf32, #tpu.memory_space<hbm>> -> memref<12288x128xf32, #tpu.memory_space<hbm>>
      tpu.wait_indirect_dma semaphore(%arg12 : memref<!tpu.dma_semaphore, #tpu.memory_space<semaphore_mem>>) src(%dma_wait3A_63 : memref<12288x128xf32, #tpu.memory_space<hbm>>) dst(%dma_wait3A_58 : memref<128x128xf32, #tpu.memory_space<vmem>>)
      %dma_start3A_64 = arith.constant 128 : i32
      %dma_start3A_65 = arith.constant 0 : i32
      %dma_start3A_66 = tpu.memref_slice %arg11[%dma_start3A_64, %dma_start3A_65] : memref<256x128xf32, #tpu.memory_space<vmem>> -> memref<128x128xf32, #tpu.memory_space<vmem>>
      %dma_start3A_67 = arith.constant 128 : i32
      %dma_start3A_68 = tpu.memref_slice %arg10[%dma_start3A_67] : memref<256xi32, #tpu.memory_space<vmem>> -> memref<128xi32, #tpu.memory_space<vmem>>
      %dma_start3A_69 = arith.constant 0 : i32
      %dma_start3A_70 = arith.constant 0 : i32
      %dma_start3A_71 = tpu.memref_slice %arg4[%dma_start3A_69, %dma_start3A_70] : memref<12288x128xf32, #tpu.memory_space<hbm>> -> memref<12288x128xf32, #tpu.memory_space<hbm>>
      tpu.enqueue_indirect_dma source(%dma_start3A_71 : memref<12288x128xf32, #tpu.memory_space<hbm>>) target(%dma_start3A_66 : memref<128x128xf32, #tpu.memory_space<vmem>>) offsets(%dma_start3A_68 : memref<128xi32, #tpu.memory_space<vmem>>) semaphore(%arg12 : memref<!tpu.dma_semaphore, #tpu.memory_space<semaphore_mem>>)
      %dma_wait3A_72 = arith.constant 128 : i32
      %dma_wait3A_73 = arith.constant 0 : i32
      %dma_wait3A_74 = tpu.memref_slice %arg11[%dma_wait3A_72, %dma_wait3A_73] : memref<256x128xf32, #tpu.memory_space<vmem>> -> memref<128x128xf32, #tpu.memory_space<vmem>>
      %dma_wait3A_75 = arith.constant 128 : i32
      %dma_wait3A_76 = tpu.memref_slice %arg10[%dma_wait3A_75] : memref<256xi32, #tpu.memory_space<vmem>> -> memref<128xi32, #tpu.memory_space<vmem>>
      %dma_wait3A_77 = arith.constant 0 : i32
      %dma_wait3A_78 = arith.constant 0 : i32
      %dma_wait3A_79 = tpu.memref_slice %arg4[%dma_wait3A_77, %dma_wait3A_78] : memref<12288x128xf32, #tpu.memory_space<hbm>> -> memref<12288x128xf32, #tpu.memory_space<hbm>>
      tpu.wait_indirect_dma semaphore(%arg12 : memref<!tpu.dma_semaphore, #tpu.memory_space<semaphore_mem>>) src(%dma_wait3A_79 : memref<12288x128xf32, #tpu.memory_space<hbm>>) dst(%dma_wait3A_74 : memref<128x128xf32, #tpu.memory_space<vmem>>)
      %mul3A_80 = arith.constant 256 : i32
      %mul3A_81 = arith.muli %select_n3A_30, %mul3A_80 : i32
      "tpu.region"() ({
        %run_scoped3A = tpu.sem_alloc : memref<!tpu.dma_semaphore, #tpu.memory_space<semaphore_mem>>
        %dma_start3A_82 = arith.constant 0 : i32
        %dma_start3A_83 = tpu.memref_slice %arg5[%select_n3A, %mul3A_81, %dma_start3A_82] : memref<12x512x128xf32, #tpu.memory_space<hbm>> -> memref<1x256x128xf32, #tpu.memory_space<hbm>>
        %dma_start3A_84 = tpu.memref_squeeze %dma_start3A_83 : memref<1x256x128xf32, #tpu.memory_space<hbm>> -> memref<256x128xf32, #tpu.memory_space<hbm>>
        %dma_start3A_85 = arith.constant 0 : i32
        %dma_start3A_86 = tpu.memref_slice %arg5[%select_n3A, %mul3A_81, %dma_start3A_85] : memref<12x512x128xf32, #tpu.memory_space<hbm>> -> memref<1x256x128xf32, #tpu.memory_space<hbm>>
        %dma_start3A_87 = tpu.memref_squeeze %dma_start3A_86 : memref<1x256x128xf32, #tpu.memory_space<hbm>> -> memref<256x128xf32, #tpu.memory_space<hbm>>
        tpu.enqueue_dma source(%arg11 : memref<256x128xf32, #tpu.memory_space<vmem>>) target(%dma_start3A_87 : memref<256x128xf32, #tpu.memory_space<hbm>>) target_semaphore(%run_scoped3A : memref<!tpu.dma_semaphore, #tpu.memory_space<semaphore_mem>>)
        %dma_wait3A_88 = arith.constant 0 : i32
        %dma_wait3A_89 = tpu.memref_slice %arg5[%select_n3A, %mul3A_81, %dma_wait3A_88] : memref<12x512x128xf32, #tpu.memory_space<hbm>> -> memref<1x256x128xf32, #tpu.memory_space<hbm>>
        %dma_wait3A_90 = tpu.memref_squeeze %dma_wait3A_89 : memref<1x256x128xf32, #tpu.memory_space<hbm>> -> memref<256x128xf32, #tpu.memory_space<hbm>>
        %dma_wait3A_91 = arith.constant 0 : i32
        %dma_wait3A_92 = tpu.memref_slice %arg5[%select_n3A, %mul3A_81, %dma_wait3A_91] : memref<12x512x128xf32, #tpu.memory_space<hbm>> -> memref<1x256x128xf32, #tpu.memory_space<hbm>>
        %dma_wait3A_93 = tpu.memref_squeeze %dma_wait3A_92 : memref<1x256x128xf32, #tpu.memory_space<hbm>> -> memref<256x128xf32, #tpu.memory_space<hbm>>
        tpu.wait_dma2 semaphore(%run_scoped3A : memref<!tpu.dma_semaphore, #tpu.memory_space<semaphore_mem>>) src(%arg11 : memref<256x128xf32, #tpu.memory_space<vmem>>) dst(%dma_wait3A_93 : memref<256x128xf32, #tpu.memory_space<hbm>>)
        tpu.yield
      }) : () -> ()
    } else {
    }
    return
  }
}

module attributes {stable_mosaic.version = 14 : i64} {
  func.func @_measure_body(%arg0: i32, %arg1: memref<256x768xf32, #tpu.memory_space<vmem>>, %arg2: memref<2048x768xf32, #tpu.memory_space<vmem>>, %arg3: memref<2048x256xf32, #tpu.memory_space<vmem>>, %arg4: memref<12x2048xf32, #tpu.memory_space<vmem>>) attributes {dimension_semantics = [#tpu.dimension_semantics<arbitrary>], iteration_bounds = array<i64: 8>, scalar_prefetch = 0 : i64, scratch_operands = 0 : i64, tpu.core_type = #tpu.core_type<tc>, window_params = [{transform_indices = @transform_0, window_bounds = array<i64: 256, 768>}, {pipeline_mode = #tpu.pipeline_mode<synchronous>, transform_indices = @transform_1, window_bounds = array<i64: 2048, 768>}, {transform_indices = @transform_2, window_bounds = array<i64: 2048, 256>}, {pipeline_mode = #tpu.pipeline_mode<synchronous>, transform_indices = @transform_3, window_bounds = array<i64: 12, 2048>}]} {
    %get3A = arith.constant 0 : index
    %get3A_0 = arith.constant 0 : index
    %get3A_1 = vector.load %arg3[%get3A, %get3A_0] : memref<2048x256xf32, #tpu.memory_space<vmem>>, vector<2048x256xf32>
    %gt3A = arith.constant 0.000000e+00 : f32
    %gt3A_2 = vector.broadcast %gt3A : f32 to vector<2048x256xf32>
    %gt3A_3 = arith.cmpf ogt, %get3A_1, %gt3A_2 : vector<2048x256xf32>
    %get3A_4 = arith.constant 0 : index
    %get3A_5 = arith.constant 0 : index
    %get3A_6 = vector.load %arg2[%get3A_4, %get3A_5] : memref<2048x768xf32, #tpu.memory_space<vmem>>, vector<2048x64xf32>
    %get3A_7 = arith.constant 0 : index
    %get3A_8 = arith.constant 0 : index
    %get3A_9 = vector.load %arg1[%get3A_7, %get3A_8] : memref<256x768xf32, #tpu.memory_space<vmem>>, vector<256x64xf32>
    %dot_general3A = arith.constant dense<0.000000e+00> : vector<2048x256xf32>
    %dot_general3A_10 = tpu.matmul %get3A_6, %get3A_9, %dot_general3A {dimension_numbers = #tpu.dot_dimension_numbers<[1], [1], [0], [0], [0, 0, 1, 0], [], []>, transpose_lhs_hint = false} : vector<2048x64xf32>, vector<256x64xf32>, vector<2048x256xf32> -> vector<2048x256xf32>
    %jit3A = arith.constant -1.000000e+30 : f32
    %broadcast_in_dim3A = vector.broadcast %jit3A : f32 to vector<2048x256xf32>
    %select_n3A = arith.select %gt3A_3, %dot_general3A_10, %broadcast_in_dim3A : vector<2048x256xi1>, vector<2048x256xf32>
    %reduce_max3A = arith.constant dense<0xFF800000> : vector<256xf32>
    %reduce_max3A_11 = vector.multi_reduction <maximumf>, %select_n3A, %reduce_max3A [0] : vector<2048x256xf32> to vector<256xf32>
    %mul3A = arith.mulf %dot_general3A_10, %get3A_1 : vector<2048x256xf32>
    %reduce_sum3A = arith.constant dense<0.000000e+00> : vector<256xf32>
    %reduce_sum3A_12 = vector.multi_reduction <add>, %mul3A, %reduce_sum3A [0] : vector<2048x256xf32> to vector<256xf32>
    %mul3A_13 = arith.constant 4.8828125E-4 : f32
    %mul3A_14 = vector.broadcast %mul3A_13 : f32 to vector<256xf32>
    %mul3A_15 = arith.mulf %reduce_sum3A_12, %mul3A_14 : vector<256xf32>
    %sub3A = arith.subf %reduce_max3A_11, %mul3A_15 : vector<256xf32>
    %mul3A_16 = arith.constant 256 : i32
    %mul3A_17 = arith.muli %arg0, %mul3A_16 : i32
    %swap3A = arith.constant 0 : index
    %swap3A_18 = arith.index_cast %mul3A_17 : i32 to index
    %swap3A_19 = vector.load %arg4[%swap3A, %swap3A_18] : memref<12x2048xf32, #tpu.memory_space<vmem>>, vector<1x256xf32>
    %swap3A_20 = vector.shape_cast %swap3A_19 : vector<1x256xf32> to vector<256xf32>
    %swap3A_21 = vector.shape_cast %sub3A : vector<256xf32> to vector<1x256xf32>
    tpu.vector_store %arg4[%swap3A, %swap3A_18], %swap3A_21 {strides = array<i32>} : memref<12x2048xf32, #tpu.memory_space<vmem>>, vector<1x256xf32>,
    %get3A_22 = arith.constant 0 : index
    %get3A_23 = arith.constant 64 : index
    %get3A_24 = vector.load %arg2[%get3A_22, %get3A_23] : memref<2048x768xf32, #tpu.memory_space<vmem>>, vector<2048x64xf32>
    %get3A_25 = arith.constant 0 : index
    %get3A_26 = arith.constant 64 : index
    %get3A_27 = vector.load %arg1[%get3A_25, %get3A_26] : memref<256x768xf32, #tpu.memory_space<vmem>>, vector<256x64xf32>
    %dot_general3A_28 = arith.constant dense<0.000000e+00> : vector<2048x256xf32>
    %dot_general3A_29 = tpu.matmul %get3A_24, %get3A_27, %dot_general3A_28 {dimension_numbers = #tpu.dot_dimension_numbers<[1], [1], [0], [0], [0, 0, 1, 0], [], []>, transpose_lhs_hint = false} : vector<2048x64xf32>, vector<256x64xf32>, vector<2048x256xf32> -> vector<2048x256xf32>
    %jit3A_30 = arith.constant -1.000000e+30 : f32
    %broadcast_in_dim3A_31 = vector.broadcast %jit3A_30 : f32 to vector<2048x256xf32>
    %select_n3A_32 = arith.select %gt3A_3, %dot_general3A_29, %broadcast_in_dim3A_31 : vector<2048x256xi1>, vector<2048x256xf32>
    %reduce_max3A_33 = arith.constant dense<0xFF800000> : vector<256xf32>
    %reduce_max3A_34 = vector.multi_reduction <maximumf>, %select_n3A_32, %reduce_max3A_33 [0] : vector<2048x256xf32> to vector<256xf32>
    %mul3A_35 = arith.mulf %dot_general3A_29, %get3A_1 : vector<2048x256xf32>
    %reduce_sum3A_36 = arith.constant dense<0.000000e+00> : vector<256xf32>
    %reduce_sum3A_37 = vector.multi_reduction <add>, %mul3A_35, %reduce_sum3A_36 [0] : vector<2048x256xf32> to vector<256xf32>
    %mul3A_38 = arith.constant 4.8828125E-4 : f32
    %mul3A_39 = vector.broadcast %mul3A_38 : f32 to vector<256xf32>
    %mul3A_40 = arith.mulf %reduce_sum3A_37, %mul3A_39 : vector<256xf32>
    %sub3A_41 = arith.subf %reduce_max3A_34, %mul3A_40 : vector<256xf32>
    %mul3A_42 = arith.constant 256 : i32
    %mul3A_43 = arith.muli %arg0, %mul3A_42 : i32
    %swap3A_44 = arith.constant 1 : index
    %swap3A_45 = arith.index_cast %mul3A_43 : i32 to index
    %swap3A_46 = vector.load %arg4[%swap3A_44, %swap3A_45] : memref<12x2048xf32, #tpu.memory_space<vmem>>, vector<1x256xf32>
    %swap3A_47 = vector.shape_cast %swap3A_46 : vector<1x256xf32> to vector<256xf32>
    %swap3A_48 = vector.shape_cast %sub3A_41 : vector<256xf32> to vector<1x256xf32>
    tpu.vector_store %arg4[%swap3A_44, %swap3A_45], %swap3A_48 {strides = array<i32>} : memref<12x2048xf32, #tpu.memory_space<vmem>>, vector<1x256xf32>,
    %get3A_49 = arith.constant 0 : index
    %get3A_50 = arith.constant 128 : index
    %get3A_51 = vector.load %arg2[%get3A_49, %get3A_50] : memref<2048x768xf32, #tpu.memory_space<vmem>>, vector<2048x64xf32>
    %get3A_52 = arith.constant 0 : index
    %get3A_53 = arith.constant 128 : index
    %get3A_54 = vector.load %arg1[%get3A_52, %get3A_53] : memref<256x768xf32, #tpu.memory_space<vmem>>, vector<256x64xf32>
    %dot_general3A_55 = arith.constant dense<0.000000e+00> : vector<2048x256xf32>
    %dot_general3A_56 = tpu.matmul %get3A_51, %get3A_54, %dot_general3A_55 {dimension_numbers = #tpu.dot_dimension_numbers<[1], [1], [0], [0], [0, 0, 1, 0], [], []>, transpose_lhs_hint = false} : vector<2048x64xf32>, vector<256x64xf32>, vector<2048x256xf32> -> vector<2048x256xf32>
    %jit3A_57 = arith.constant -1.000000e+30 : f32
    %broadcast_in_dim3A_58 = vector.broadcast %jit3A_57 : f32 to vector<2048x256xf32>
    %select_n3A_59 = arith.select %gt3A_3, %dot_general3A_56, %broadcast_in_dim3A_58 : vector<2048x256xi1>, vector<2048x256xf32>
    %reduce_max3A_60 = arith.constant dense<0xFF800000> : vector<256xf32>
    %reduce_max3A_61 = vector.multi_reduction <maximumf>, %select_n3A_59, %reduce_max3A_60 [0] : vector<2048x256xf32> to vector<256xf32>
    %mul3A_62 = arith.mulf %dot_general3A_56, %get3A_1 : vector<2048x256xf32>
    %reduce_sum3A_63 = arith.constant dense<0.000000e+00> : vector<256xf32>
    %reduce_sum3A_64 = vector.multi_reduction <add>, %mul3A_62, %reduce_sum3A_63 [0] : vector<2048x256xf32> to vector<256xf32>
    %mul3A_65 = arith.constant 4.8828125E-4 : f32
    %mul3A_66 = vector.broadcast %mul3A_65 : f32 to vector<256xf32>
    %mul3A_67 = arith.mulf %reduce_sum3A_64, %mul3A_66 : vector<256xf32>
    %sub3A_68 = arith.subf %reduce_max3A_61, %mul3A_67 : vector<256xf32>
    %mul3A_69 = arith.constant 256 : i32
    %mul3A_70 = arith.muli %arg0, %mul3A_69 : i32
    %swap3A_71 = arith.constant 2 : index
    %swap3A_72 = arith.index_cast %mul3A_70 : i32 to index
    %swap3A_73 = vector.load %arg4[%swap3A_71, %swap3A_72] : memref<12x2048xf32, #tpu.memory_space<vmem>>, vector<1x256xf32>
    %swap3A_74 = vector.shape_cast %swap3A_73 : vector<1x256xf32> to vector<256xf32>
    %swap3A_75 = vector.shape_cast %sub3A_68 : vector<256xf32> to vector<1x256xf32>
    tpu.vector_store %arg4[%swap3A_71, %swap3A_72], %swap3A_75 {strides = array<i32>} : memref<12x2048xf32, #tpu.memory_space<vmem>>, vector<1x256xf32>,
    %get3A_76 = arith.constant 0 : index
    %get3A_77 = arith.constant 192 : index
    %get3A_78 = vector.load %arg2[%get3A_76, %get3A_77] : memref<2048x768xf32, #tpu.memory_space<vmem>>, vector<2048x64xf32>
    %get3A_79 = arith.constant 0 : index
    %get3A_80 = arith.constant 192 : index
    %get3A_81 = vector.load %arg1[%get3A_79, %get3A_80] : memref<256x768xf32, #tpu.memory_space<vmem>>, vector<256x64xf32>
    %dot_general3A_82 = arith.constant dense<0.000000e+00> : vector<2048x256xf32>
    %dot_general3A_83 = tpu.matmul %get3A_78, %get3A_81, %dot_general3A_82 {dimension_numbers = #tpu.dot_dimension_numbers<[1], [1], [0], [0], [0, 0, 1, 0], [], []>, transpose_lhs_hint = false} : vector<2048x64xf32>, vector<256x64xf32>, vector<2048x256xf32> -> vector<2048x256xf32>
    %jit3A_84 = arith.constant -1.000000e+30 : f32
    %broadcast_in_dim3A_85 = vector.broadcast %jit3A_84 : f32 to vector<2048x256xf32>
    %select_n3A_86 = arith.select %gt3A_3, %dot_general3A_83, %broadcast_in_dim3A_85 : vector<2048x256xi1>, vector<2048x256xf32>
    %reduce_max3A_87 = arith.constant dense<0xFF800000> : vector<256xf32>
    %reduce_max3A_88 = vector.multi_reduction <maximumf>, %select_n3A_86, %reduce_max3A_87 [0] : vector<2048x256xf32> to vector<256xf32>
    %mul3A_89 = arith.mulf %dot_general3A_83, %get3A_1 : vector<2048x256xf32>
    %reduce_sum3A_90 = arith.constant dense<0.000000e+00> : vector<256xf32>
    %reduce_sum3A_91 = vector.multi_reduction <add>, %mul3A_89, %reduce_sum3A_90 [0] : vector<2048x256xf32> to vector<256xf32>
    %mul3A_92 = arith.constant 4.8828125E-4 : f32
    %mul3A_93 = vector.broadcast %mul3A_92 : f32 to vector<256xf32>
    %mul3A_94 = arith.mulf %reduce_sum3A_91, %mul3A_93 : vector<256xf32>
    %sub3A_95 = arith.subf %reduce_max3A_88, %mul3A_94 : vector<256xf32>
    %mul3A_96 = arith.constant 256 : i32
    %mul3A_97 = arith.muli %arg0, %mul3A_96 : i32
    %swap3A_98 = arith.constant 3 : index
    %swap3A_99 = arith.index_cast %mul3A_97 : i32 to index
    %swap3A_100 = vector.load %arg4[%swap3A_98, %swap3A_99] : memref<12x2048xf32, #tpu.memory_space<vmem>>, vector<1x256xf32>
    %swap3A_101 = vector.shape_cast %swap3A_100 : vector<1x256xf32> to vector<256xf32>
    %swap3A_102 = vector.shape_cast %sub3A_95 : vector<256xf32> to vector<1x256xf32>
    tpu.vector_store %arg4[%swap3A_98, %swap3A_99], %swap3A_102 {strides = array<i32>} : memref<12x2048xf32, #tpu.memory_space<vmem>>, vector<1x256xf32>,
    %get3A_103 = arith.constant 0 : index
    %get3A_104 = arith.constant 256 : index
    %get3A_105 = vector.load %arg2[%get3A_103, %get3A_104] : memref<2048x768xf32, #tpu.memory_space<vmem>>, vector<2048x64xf32>
    %get3A_106 = arith.constant 0 : index
    %get3A_107 = arith.constant 256 : index
    %get3A_108 = vector.load %arg1[%get3A_106, %get3A_107] : memref<256x768xf32, #tpu.memory_space<vmem>>, vector<256x64xf32>
    %dot_general3A_109 = arith.constant dense<0.000000e+00> : vector<2048x256xf32>
    %dot_general3A_110 = tpu.matmul %get3A_105, %get3A_108, %dot_general3A_109 {dimension_numbers = #tpu.dot_dimension_numbers<[1], [1], [0], [0], [0, 0, 1, 0], [], []>, transpose_lhs_hint = false} : vector<2048x64xf32>, vector<256x64xf32>, vector<2048x256xf32> -> vector<2048x256xf32>
    %jit3A_111 = arith.constant -1.000000e+30 : f32
    %broadcast_in_dim3A_112 = vector.broadcast %jit3A_111 : f32 to vector<2048x256xf32>
    %select_n3A_113 = arith.select %gt3A_3, %dot_general3A_110, %broadcast_in_dim3A_112 : vector<2048x256xi1>, vector<2048x256xf32>
    %reduce_max3A_114 = arith.constant dense<0xFF800000> : vector<256xf32>
    %reduce_max3A_115 = vector.multi_reduction <maximumf>, %select_n3A_113, %reduce_max3A_114 [0] : vector<2048x256xf32> to vector<256xf32>
    %mul3A_116 = arith.mulf %dot_general3A_110, %get3A_1 : vector<2048x256xf32>
    %reduce_sum3A_117 = arith.constant dense<0.000000e+00> : vector<256xf32>
    %reduce_sum3A_118 = vector.multi_reduction <add>, %mul3A_116, %reduce_sum3A_117 [0] : vector<2048x256xf32> to vector<256xf32>
    %mul3A_119 = arith.constant 4.8828125E-4 : f32
    %mul3A_120 = vector.broadcast %mul3A_119 : f32 to vector<256xf32>
    %mul3A_121 = arith.mulf %reduce_sum3A_118, %mul3A_120 : vector<256xf32>
    %sub3A_122 = arith.subf %reduce_max3A_115, %mul3A_121 : vector<256xf32>
    %mul3A_123 = arith.constant 256 : i32
    %mul3A_124 = arith.muli %arg0, %mul3A_123 : i32
    %swap3A_125 = arith.constant 4 : index
    %swap3A_126 = arith.index_cast %mul3A_124 : i32 to index
    %swap3A_127 = vector.load %arg4[%swap3A_125, %swap3A_126] : memref<12x2048xf32, #tpu.memory_space<vmem>>, vector<1x256xf32>
    %swap3A_128 = vector.shape_cast %swap3A_127 : vector<1x256xf32> to vector<256xf32>
    %swap3A_129 = vector.shape_cast %sub3A_122 : vector<256xf32> to vector<1x256xf32>
    tpu.vector_store %arg4[%swap3A_125, %swap3A_126], %swap3A_129 {strides = array<i32>} : memref<12x2048xf32, #tpu.memory_space<vmem>>, vector<1x256xf32>,
    %get3A_130 = arith.constant 0 : index
    %get3A_131 = arith.constant 320 : index
    %get3A_132 = vector.load %arg2[%get3A_130, %get3A_131] : memref<2048x768xf32, #tpu.memory_space<vmem>>, vector<2048x64xf32>
    %get3A_133 = arith.constant 0 : index
    %get3A_134 = arith.constant 320 : index
    %get3A_135 = vector.load %arg1[%get3A_133, %get3A_134] : memref<256x768xf32, #tpu.memory_space<vmem>>, vector<256x64xf32>
    %dot_general3A_136 = arith.constant dense<0.000000e+00> : vector<2048x256xf32>
    %dot_general3A_137 = tpu.matmul %get3A_132, %get3A_135, %dot_general3A_136 {dimension_numbers = #tpu.dot_dimension_numbers<[1], [1], [0], [0], [0, 0, 1, 0], [], []>, transpose_lhs_hint = false} : vector<2048x64xf32>, vector<256x64xf32>, vector<2048x256xf32> -> vector<2048x256xf32>
    %jit3A_138 = arith.constant -1.000000e+30 : f32
    %broadcast_in_dim3A_139 = vector.broadcast %jit3A_138 : f32 to vector<2048x256xf32>
    %select_n3A_140 = arith.select %gt3A_3, %dot_general3A_137, %broadcast_in_dim3A_139 : vector<2048x256xi1>, vector<2048x256xf32>
    %reduce_max3A_141 = arith.constant dense<0xFF800000> : vector<256xf32>
    %reduce_max3A_142 = vector.multi_reduction <maximumf>, %select_n3A_140, %reduce_max3A_141 [0] : vector<2048x256xf32> to vector<256xf32>
    %mul3A_143 = arith.mulf %dot_general3A_137, %get3A_1 : vector<2048x256xf32>
    %reduce_sum3A_144 = arith.constant dense<0.000000e+00> : vector<256xf32>
    %reduce_sum3A_145 = vector.multi_reduction <add>, %mul3A_143, %reduce_sum3A_144 [0] : vector<2048x256xf32> to vector<256xf32>
    %mul3A_146 = arith.constant 4.8828125E-4 : f32
    %mul3A_147 = vector.broadcast %mul3A_146 : f32 to vector<256xf32>
    %mul3A_148 = arith.mulf %reduce_sum3A_145, %mul3A_147 : vector<256xf32>
    %sub3A_149 = arith.subf %reduce_max3A_142, %mul3A_148 : vector<256xf32>
    %mul3A_150 = arith.constant 256 : i32
    %mul3A_151 = arith.muli %arg0, %mul3A_150 : i32
    %swap3A_152 = arith.constant 5 : index
    %swap3A_153 = arith.index_cast %mul3A_151 : i32 to index
    %swap3A_154 = vector.load %arg4[%swap3A_152, %swap3A_153] : memref<12x2048xf32, #tpu.memory_space<vmem>>, vector<1x256xf32>
    %swap3A_155 = vector.shape_cast %swap3A_154 : vector<1x256xf32> to vector<256xf32>
    %swap3A_156 = vector.shape_cast %sub3A_149 : vector<256xf32> to vector<1x256xf32>
    tpu.vector_store %arg4[%swap3A_152, %swap3A_153], %swap3A_156 {strides = array<i32>} : memref<12x2048xf32, #tpu.memory_space<vmem>>, vector<1x256xf32>,
    %get3A_157 = arith.constant 0 : index
    %get3A_158 = arith.constant 384 : index
    %get3A_159 = vector.load %arg2[%get3A_157, %get3A_158] : memref<2048x768xf32, #tpu.memory_space<vmem>>, vector<2048x64xf32>
    %get3A_160 = arith.constant 0 : index
    %get3A_161 = arith.constant 384 : index
    %get3A_162 = vector.load %arg1[%get3A_160, %get3A_161] : memref<256x768xf32, #tpu.memory_space<vmem>>, vector<256x64xf32>
    %dot_general3A_163 = arith.constant dense<0.000000e+00> : vector<2048x256xf32>
    %dot_general3A_164 = tpu.matmul %get3A_159, %get3A_162, %dot_general3A_163 {dimension_numbers = #tpu.dot_dimension_numbers<[1], [1], [0], [0], [0, 0, 1, 0], [], []>, transpose_lhs_hint = false} : vector<2048x64xf32>, vector<256x64xf32>, vector<2048x256xf32> -> vector<2048x256xf32>
    %jit3A_165 = arith.constant -1.000000e+30 : f32
    %broadcast_in_dim3A_166 = vector.broadcast %jit3A_165 : f32 to vector<2048x256xf32>
    %select_n3A_167 = arith.select %gt3A_3, %dot_general3A_164, %broadcast_in_dim3A_166 : vector<2048x256xi1>, vector<2048x256xf32>
    %reduce_max3A_168 = arith.constant dense<0xFF800000> : vector<256xf32>
    %reduce_max3A_169 = vector.multi_reduction <maximumf>, %select_n3A_167, %reduce_max3A_168 [0] : vector<2048x256xf32> to vector<256xf32>
    %mul3A_170 = arith.mulf %dot_general3A_164, %get3A_1 : vector<2048x256xf32>
    %reduce_sum3A_171 = arith.constant dense<0.000000e+00> : vector<256xf32>
    %reduce_sum3A_172 = vector.multi_reduction <add>, %mul3A_170, %reduce_sum3A_171 [0] : vector<2048x256xf32> to vector<256xf32>
    %mul3A_173 = arith.constant 4.8828125E-4 : f32
    %mul3A_174 = vector.broadcast %mul3A_173 : f32 to vector<256xf32>
    %mul3A_175 = arith.mulf %reduce_sum3A_172, %mul3A_174 : vector<256xf32>
    %sub3A_176 = arith.subf %reduce_max3A_169, %mul3A_175 : vector<256xf32>
    %mul3A_177 = arith.constant 256 : i32
    %mul3A_178 = arith.muli %arg0, %mul3A_177 : i32
    %swap3A_179 = arith.constant 6 : index
    %swap3A_180 = arith.index_cast %mul3A_178 : i32 to index
    %swap3A_181 = vector.load %arg4[%swap3A_179, %swap3A_180] : memref<12x2048xf32, #tpu.memory_space<vmem>>, vector<1x256xf32>
    %swap3A_182 = vector.shape_cast %swap3A_181 : vector<1x256xf32> to vector<256xf32>
    %swap3A_183 = vector.shape_cast %sub3A_176 : vector<256xf32> to vector<1x256xf32>
    tpu.vector_store %arg4[%swap3A_179, %swap3A_180], %swap3A_183 {strides = array<i32>} : memref<12x2048xf32, #tpu.memory_space<vmem>>, vector<1x256xf32>,
    %get3A_184 = arith.constant 0 : index
    %get3A_185 = arith.constant 448 : index
    %get3A_186 = vector.load %arg2[%get3A_184, %get3A_185] : memref<2048x768xf32, #tpu.memory_space<vmem>>, vector<2048x64xf32>
    %get3A_187 = arith.constant 0 : index
    %get3A_188 = arith.constant 448 : index
    %get3A_189 = vector.load %arg1[%get3A_187, %get3A_188] : memref<256x768xf32, #tpu.memory_space<vmem>>, vector<256x64xf32>
    %dot_general3A_190 = arith.constant dense<0.000000e+00> : vector<2048x256xf32>
    %dot_general3A_191 = tpu.matmul %get3A_186, %get3A_189, %dot_general3A_190 {dimension_numbers = #tpu.dot_dimension_numbers<[1], [1], [0], [0], [0, 0, 1, 0], [], []>, transpose_lhs_hint = false} : vector<2048x64xf32>, vector<256x64xf32>, vector<2048x256xf32> -> vector<2048x256xf32>
    %jit3A_192 = arith.constant -1.000000e+30 : f32
    %broadcast_in_dim3A_193 = vector.broadcast %jit3A_192 : f32 to vector<2048x256xf32>
    %select_n3A_194 = arith.select %gt3A_3, %dot_general3A_191, %broadcast_in_dim3A_193 : vector<2048x256xi1>, vector<2048x256xf32>
    %reduce_max3A_195 = arith.constant dense<0xFF800000> : vector<256xf32>
    %reduce_max3A_196 = vector.multi_reduction <maximumf>, %select_n3A_194, %reduce_max3A_195 [0] : vector<2048x256xf32> to vector<256xf32>
    %mul3A_197 = arith.mulf %dot_general3A_191, %get3A_1 : vector<2048x256xf32>
    %reduce_sum3A_198 = arith.constant dense<0.000000e+00> : vector<256xf32>
    %reduce_sum3A_199 = vector.multi_reduction <add>, %mul3A_197, %reduce_sum3A_198 [0] : vector<2048x256xf32> to vector<256xf32>
    %mul3A_200 = arith.constant 4.8828125E-4 : f32
    %mul3A_201 = vector.broadcast %mul3A_200 : f32 to vector<256xf32>
    %mul3A_202 = arith.mulf %reduce_sum3A_199, %mul3A_201 : vector<256xf32>
    %sub3A_203 = arith.subf %reduce_max3A_196, %mul3A_202 : vector<256xf32>
    %mul3A_204 = arith.constant 256 : i32
    %mul3A_205 = arith.muli %arg0, %mul3A_204 : i32
    %swap3A_206 = arith.constant 7 : index
    %swap3A_207 = arith.index_cast %mul3A_205 : i32 to index
    %swap3A_208 = vector.load %arg4[%swap3A_206, %swap3A_207] : memref<12x2048xf32, #tpu.memory_space<vmem>>, vector<1x256xf32>
    %swap3A_209 = vector.shape_cast %swap3A_208 : vector<1x256xf32> to vector<256xf32>
    %swap3A_210 = vector.shape_cast %sub3A_203 : vector<256xf32> to vector<1x256xf32>
    tpu.vector_store %arg4[%swap3A_206, %swap3A_207], %swap3A_210 {strides = array<i32>} : memref<12x2048xf32, #tpu.memory_space<vmem>>, vector<1x256xf32>,
    %get3A_211 = arith.constant 0 : index
    %get3A_212 = arith.constant 512 : index
    %get3A_213 = vector.load %arg2[%get3A_211, %get3A_212] : memref<2048x768xf32, #tpu.memory_space<vmem>>, vector<2048x64xf32>
    %get3A_214 = arith.constant 0 : index
    %get3A_215 = arith.constant 512 : index
    %get3A_216 = vector.load %arg1[%get3A_214, %get3A_215] : memref<256x768xf32, #tpu.memory_space<vmem>>, vector<256x64xf32>
    %dot_general3A_217 = arith.constant dense<0.000000e+00> : vector<2048x256xf32>
    %dot_general3A_218 = tpu.matmul %get3A_213, %get3A_216, %dot_general3A_217 {dimension_numbers = #tpu.dot_dimension_numbers<[1], [1], [0], [0], [0, 0, 1, 0], [], []>, transpose_lhs_hint = false} : vector<2048x64xf32>, vector<256x64xf32>, vector<2048x256xf32> -> vector<2048x256xf32>
    %jit3A_219 = arith.constant -1.000000e+30 : f32
    %broadcast_in_dim3A_220 = vector.broadcast %jit3A_219 : f32 to vector<2048x256xf32>
    %select_n3A_221 = arith.select %gt3A_3, %dot_general3A_218, %broadcast_in_dim3A_220 : vector<2048x256xi1>, vector<2048x256xf32>
    %reduce_max3A_222 = arith.constant dense<0xFF800000> : vector<256xf32>
    %reduce_max3A_223 = vector.multi_reduction <maximumf>, %select_n3A_221, %reduce_max3A_222 [0] : vector<2048x256xf32> to vector<256xf32>
    %mul3A_224 = arith.mulf %dot_general3A_218, %get3A_1 : vector<2048x256xf32>
    %reduce_sum3A_225 = arith.constant dense<0.000000e+00> : vector<256xf32>
    %reduce_sum3A_226 = vector.multi_reduction <add>, %mul3A_224, %reduce_sum3A_225 [0] : vector<2048x256xf32> to vector<256xf32>
    %mul3A_227 = arith.constant 4.8828125E-4 : f32
    %mul3A_228 = vector.broadcast %mul3A_227 : f32 to vector<256xf32>
    %mul3A_229 = arith.mulf %reduce_sum3A_226, %mul3A_228 : vector<256xf32>
    %sub3A_230 = arith.subf %reduce_max3A_223, %mul3A_229 : vector<256xf32>
    %mul3A_231 = arith.constant 256 : i32
    %mul3A_232 = arith.muli %arg0, %mul3A_231 : i32
    %swap3A_233 = arith.constant 8 : index
    %swap3A_234 = arith.index_cast %mul3A_232 : i32 to index
    %swap3A_235 = vector.load %arg4[%swap3A_233, %swap3A_234] : memref<12x2048xf32, #tpu.memory_space<vmem>>, vector<1x256xf32>
    %swap3A_236 = vector.shape_cast %swap3A_235 : vector<1x256xf32> to vector<256xf32>
    %swap3A_237 = vector.shape_cast %sub3A_230 : vector<256xf32> to vector<1x256xf32>
    tpu.vector_store %arg4[%swap3A_233, %swap3A_234], %swap3A_237 {strides = array<i32>} : memref<12x2048xf32, #tpu.memory_space<vmem>>, vector<1x256xf32>,
    %get3A_238 = arith.constant 0 : index
    %get3A_239 = arith.constant 576 : index
    %get3A_240 = vector.load %arg2[%get3A_238, %get3A_239] : memref<2048x768xf32, #tpu.memory_space<vmem>>, vector<2048x64xf32>
    %get3A_241 = arith.constant 0 : index
    %get3A_242 = arith.constant 576 : index
    %get3A_243 = vector.load %arg1[%get3A_241, %get3A_242] : memref<256x768xf32, #tpu.memory_space<vmem>>, vector<256x64xf32>
    %dot_general3A_244 = arith.constant dense<0.000000e+00> : vector<2048x256xf32>
    %dot_general3A_245 = tpu.matmul %get3A_240, %get3A_243, %dot_general3A_244 {dimension_numbers = #tpu.dot_dimension_numbers<[1], [1], [0], [0], [0, 0, 1, 0], [], []>, transpose_lhs_hint = false} : vector<2048x64xf32>, vector<256x64xf32>, vector<2048x256xf32> -> vector<2048x256xf32>
    %jit3A_246 = arith.constant -1.000000e+30 : f32
    %broadcast_in_dim3A_247 = vector.broadcast %jit3A_246 : f32 to vector<2048x256xf32>
    %select_n3A_248 = arith.select %gt3A_3, %dot_general3A_245, %broadcast_in_dim3A_247 : vector<2048x256xi1>, vector<2048x256xf32>
    %reduce_max3A_249 = arith.constant dense<0xFF800000> : vector<256xf32>
    %reduce_max3A_250 = vector.multi_reduction <maximumf>, %select_n3A_248, %reduce_max3A_249 [0] : vector<2048x256xf32> to vector<256xf32>
    %mul3A_251 = arith.mulf %dot_general3A_245, %get3A_1 : vector<2048x256xf32>
    %reduce_sum3A_252 = arith.constant dense<0.000000e+00> : vector<256xf32>
    %reduce_sum3A_253 = vector.multi_reduction <add>, %mul3A_251, %reduce_sum3A_252 [0] : vector<2048x256xf32> to vector<256xf32>
    %mul3A_254 = arith.constant 4.8828125E-4 : f32
    %mul3A_255 = vector.broadcast %mul3A_254 : f32 to vector<256xf32>
    %mul3A_256 = arith.mulf %reduce_sum3A_253, %mul3A_255 : vector<256xf32>
    %sub3A_257 = arith.subf %reduce_max3A_250, %mul3A_256 : vector<256xf32>
    %mul3A_258 = arith.constant 256 : i32
    %mul3A_259 = arith.muli %arg0, %mul3A_258 : i32
    %swap3A_260 = arith.constant 9 : index
    %swap3A_261 = arith.index_cast %mul3A_259 : i32 to index
    %swap3A_262 = vector.load %arg4[%swap3A_260, %swap3A_261] : memref<12x2048xf32, #tpu.memory_space<vmem>>, vector<1x256xf32>
    %swap3A_263 = vector.shape_cast %swap3A_262 : vector<1x256xf32> to vector<256xf32>
    %swap3A_264 = vector.shape_cast %sub3A_257 : vector<256xf32> to vector<1x256xf32>
    tpu.vector_store %arg4[%swap3A_260, %swap3A_261], %swap3A_264 {strides = array<i32>} : memref<12x2048xf32, #tpu.memory_space<vmem>>, vector<1x256xf32>,
    %get3A_265 = arith.constant 0 : index
    %get3A_266 = arith.constant 640 : index
    %get3A_267 = vector.load %arg2[%get3A_265, %get3A_266] : memref<2048x768xf32, #tpu.memory_space<vmem>>, vector<2048x64xf32>
    %get3A_268 = arith.constant 0 : index
    %get3A_269 = arith.constant 640 : index
    %get3A_270 = vector.load %arg1[%get3A_268, %get3A_269] : memref<256x768xf32, #tpu.memory_space<vmem>>, vector<256x64xf32>
    %dot_general3A_271 = arith.constant dense<0.000000e+00> : vector<2048x256xf32>
    %dot_general3A_272 = tpu.matmul %get3A_267, %get3A_270, %dot_general3A_271 {dimension_numbers = #tpu.dot_dimension_numbers<[1], [1], [0], [0], [0, 0, 1, 0], [], []>, transpose_lhs_hint = false} : vector<2048x64xf32>, vector<256x64xf32>, vector<2048x256xf32> -> vector<2048x256xf32>
    %jit3A_273 = arith.constant -1.000000e+30 : f32
    %broadcast_in_dim3A_274 = vector.broadcast %jit3A_273 : f32 to vector<2048x256xf32>
    %select_n3A_275 = arith.select %gt3A_3, %dot_general3A_272, %broadcast_in_dim3A_274 : vector<2048x256xi1>, vector<2048x256xf32>
    %reduce_max3A_276 = arith.constant dense<0xFF800000> : vector<256xf32>
    %reduce_max3A_277 = vector.multi_reduction <maximumf>, %select_n3A_275, %reduce_max3A_276 [0] : vector<2048x256xf32> to vector<256xf32>
    %mul3A_278 = arith.mulf %dot_general3A_272, %get3A_1 : vector<2048x256xf32>
    %reduce_sum3A_279 = arith.constant dense<0.000000e+00> : vector<256xf32>
    %reduce_sum3A_280 = vector.multi_reduction <add>, %mul3A_278, %reduce_sum3A_279 [0] : vector<2048x256xf32> to vector<256xf32>
    %mul3A_281 = arith.constant 4.8828125E-4 : f32
    %mul3A_282 = vector.broadcast %mul3A_281 : f32 to vector<256xf32>
    %mul3A_283 = arith.mulf %reduce_sum3A_280, %mul3A_282 : vector<256xf32>
    %sub3A_284 = arith.subf %reduce_max3A_277, %mul3A_283 : vector<256xf32>
    %mul3A_285 = arith.constant 256 : i32
    %mul3A_286 = arith.muli %arg0, %mul3A_285 : i32
    %swap3A_287 = arith.constant 10 : index
    %swap3A_288 = arith.index_cast %mul3A_286 : i32 to index
    %swap3A_289 = vector.load %arg4[%swap3A_287, %swap3A_288] : memref<12x2048xf32, #tpu.memory_space<vmem>>, vector<1x256xf32>
    %swap3A_290 = vector.shape_cast %swap3A_289 : vector<1x256xf32> to vector<256xf32>
    %swap3A_291 = vector.shape_cast %sub3A_284 : vector<256xf32> to vector<1x256xf32>
    tpu.vector_store %arg4[%swap3A_287, %swap3A_288], %swap3A_291 {strides = array<i32>} : memref<12x2048xf32, #tpu.memory_space<vmem>>, vector<1x256xf32>,
    %get3A_292 = arith.constant 0 : index
    %get3A_293 = arith.constant 704 : index
    %get3A_294 = vector.load %arg2[%get3A_292, %get3A_293] : memref<2048x768xf32, #tpu.memory_space<vmem>>, vector<2048x64xf32>
    %get3A_295 = arith.constant 0 : index
    %get3A_296 = arith.constant 704 : index
    %get3A_297 = vector.load %arg1[%get3A_295, %get3A_296] : memref<256x768xf32, #tpu.memory_space<vmem>>, vector<256x64xf32>
    %dot_general3A_298 = arith.constant dense<0.000000e+00> : vector<2048x256xf32>
    %dot_general3A_299 = tpu.matmul %get3A_294, %get3A_297, %dot_general3A_298 {dimension_numbers = #tpu.dot_dimension_numbers<[1], [1], [0], [0], [0, 0, 1, 0], [], []>, transpose_lhs_hint = false} : vector<2048x64xf32>, vector<256x64xf32>, vector<2048x256xf32> -> vector<2048x256xf32>
    %jit3A_300 = arith.constant -1.000000e+30 : f32
    %broadcast_in_dim3A_301 = vector.broadcast %jit3A_300 : f32 to vector<2048x256xf32>
    %select_n3A_302 = arith.select %gt3A_3, %dot_general3A_299, %broadcast_in_dim3A_301 : vector<2048x256xi1>, vector<2048x256xf32>
    %reduce_max3A_303 = arith.constant dense<0xFF800000> : vector<256xf32>
    %reduce_max3A_304 = vector.multi_reduction <maximumf>, %select_n3A_302, %reduce_max3A_303 [0] : vector<2048x256xf32> to vector<256xf32>
    %mul3A_305 = arith.mulf %dot_general3A_299, %get3A_1 : vector<2048x256xf32>
    %reduce_sum3A_306 = arith.constant dense<0.000000e+00> : vector<256xf32>
    %reduce_sum3A_307 = vector.multi_reduction <add>, %mul3A_305, %reduce_sum3A_306 [0] : vector<2048x256xf32> to vector<256xf32>
    %mul3A_308 = arith.constant 4.8828125E-4 : f32
    %mul3A_309 = vector.broadcast %mul3A_308 : f32 to vector<256xf32>
    %mul3A_310 = arith.mulf %reduce_sum3A_307, %mul3A_309 : vector<256xf32>
    %sub3A_311 = arith.subf %reduce_max3A_304, %mul3A_310 : vector<256xf32>
    %mul3A_312 = arith.constant 256 : i32
    %mul3A_313 = arith.muli %arg0, %mul3A_312 : i32
    %swap3A_314 = arith.constant 11 : index
    %swap3A_315 = arith.index_cast %mul3A_313 : i32 to index
    %swap3A_316 = vector.load %arg4[%swap3A_314, %swap3A_315] : memref<12x2048xf32, #tpu.memory_space<vmem>>, vector<1x256xf32>
    %swap3A_317 = vector.shape_cast %swap3A_316 : vector<1x256xf32> to vector<256xf32>
    %swap3A_318 = vector.shape_cast %sub3A_311 : vector<256xf32> to vector<1x256xf32>
    tpu.vector_store %arg4[%swap3A_314, %swap3A_315], %swap3A_318 {strides = array<i32>} : memref<12x2048xf32, #tpu.memory_space<vmem>>, vector<1x256xf32>,
    return
  }
  func.func @transform_0(%arg0: i32) -> (i32, i32) {
    %c0_i32 = arith.constant 0 : i32
    %c0_i32_0 = arith.constant 0 : i32
    return %arg0, %c0_i32 : i32, i32
  }
  func.func @transform_1(%arg0: i32) -> (i32, i32) {
    %c0_i32 = arith.constant 0 : i32
    %c0_i32_0 = arith.constant 0 : i32
    %c0_i32_1 = arith.constant 0 : i32
    return %c0_i32, %c0_i32_0 : i32, i32
  }
  func.func @transform_2(%arg0: i32) -> (i32, i32) {
    %c0_i32 = arith.constant 0 : i32
    %c0_i32_0 = arith.constant 0 : i32
    return %c0_i32, %arg0 : i32, i32
  }
  func.func @transform_3(%arg0: i32) -> (i32, i32) {
    %c0_i32 = arith.constant 0 : i32
    %c0_i32_0 = arith.constant 0 : i32
    %c0_i32_1 = arith.constant 0 : i32
    return %c0_i32, %c0_i32_0 : i32, i32
  }
}

module attributes {stable_mosaic.version = 14 : i64} {
  func.func @_proj_body(%arg0: i32, %arg1: memref<256x768xf32, #tpu.memory_space<vmem>>, %arg2: memref<256x768xf32, #tpu.memory_space<vmem>>, %arg3: memref<256x768xf32, #tpu.memory_space<vmem>>, %arg4: memref<768x768xf32, #tpu.memory_space<vmem>>, %arg5: memref<1x768xf32, #tpu.memory_space<vmem>>, %arg6: memref<768x768xf32, #tpu.memory_space<vmem>>, %arg7: memref<1x768xf32, #tpu.memory_space<vmem>>, %arg8: memref<768x768xf32, #tpu.memory_space<vmem>>, %arg9: memref<1x768xf32, #tpu.memory_space<vmem>>, %arg10: memref<256x768xf32, #tpu.memory_space<vmem>>, %arg11: memref<256x768xf32, #tpu.memory_space<vmem>>, %arg12: memref<256x768xf32, #tpu.memory_space<vmem>>) attributes {dimension_semantics = [#tpu.dimension_semantics<arbitrary>], iteration_bounds = array<i64: 8>, scalar_prefetch = 0 : i64, scratch_operands = 0 : i64, tpu.core_type = #tpu.core_type<tc>, window_params = [{transform_indices = @transform_0, window_bounds = array<i64: 256, 768>}, {transform_indices = @transform_1, window_bounds = array<i64: 256, 768>}, {transform_indices = @transform_2, window_bounds = array<i64: 256, 768>}, {pipeline_mode = #tpu.pipeline_mode<synchronous>, transform_indices = @transform_3, window_bounds = array<i64: 768, 768>}, {pipeline_mode = #tpu.pipeline_mode<synchronous>, transform_indices = @transform_4, window_bounds = array<i64: 1, 768>}, {pipeline_mode = #tpu.pipeline_mode<synchronous>, transform_indices = @transform_5, window_bounds = array<i64: 768, 768>}, {pipeline_mode = #tpu.pipeline_mode<synchronous>, transform_indices = @transform_6, window_bounds = array<i64: 1, 768>}, {pipeline_mode = #tpu.pipeline_mode<synchronous>, transform_indices = @transform_7, window_bounds = array<i64: 768, 768>}, {pipeline_mode = #tpu.pipeline_mode<synchronous>, transform_indices = @transform_8, window_bounds = array<i64: 1, 768>}, {transform_indices = @transform_9, window_bounds = array<i64: 256, 768>}, {transform_indices = @transform_10, window_bounds = array<i64: 256, 768>}, {transform_indices = @transform_11, window_bounds = array<i64: 256, 768>}]} {
    %get3A = arith.constant 0 : index
    %get3A_0 = arith.constant 0 : index
    %get3A_1 = vector.load %arg1[%get3A, %get3A_0] : memref<256x768xf32, #tpu.memory_space<vmem>>, vector<256x768xf32>
    %get3A_2 = arith.constant 0 : index
    %get3A_3 = arith.constant 0 : index
    %get3A_4 = vector.load %arg4[%get3A_2, %get3A_3] : memref<768x768xf32, #tpu.memory_space<vmem>>, vector<768x768xf32>
    %dot_general3A = arith.constant dense<0.000000e+00> : vector<256x768xf32>
    %dot_general3A_5 = tpu.matmul %get3A_1, %get3A_4, %dot_general3A {dimension_numbers = #tpu.dot_dimension_numbers<[1], [0], [0], [1], [0, 0, 1, 1], [], []>, transpose_lhs_hint = false} : vector<256x768xf32>, vector<768x768xf32>, vector<256x768xf32> -> vector<256x768xf32>
    %get3A_6 = arith.constant 0 : index
    %get3A_7 = arith.constant 0 : index
    %get3A_8 = vector.load %arg5[%get3A_6, %get3A_7] : memref<1x768xf32, #tpu.memory_space<vmem>>, vector<1x768xf32>
    %add3A = vector.broadcast %get3A_8 : vector<1x768xf32> to vector<256x768xf32>
    %add3A_9 = arith.addf %dot_general3A_5, %add3A : vector<256x768xf32>
    %swap3A = arith.constant 0 : index
    %swap3A_10 = arith.constant 0 : index
    %swap3A_11 = vector.load %arg10[%swap3A, %swap3A_10] : memref<256x768xf32, #tpu.memory_space<vmem>>, vector<256x768xf32>
    tpu.vector_store %arg10[%swap3A, %swap3A_10], %add3A_9 {strides = array<i32>} : memref<256x768xf32, #tpu.memory_space<vmem>>, vector<256x768xf32>,
    %get3A_12 = arith.constant 0 : index
    %get3A_13 = arith.constant 0 : index
    %get3A_14 = vector.load %arg2[%get3A_12, %get3A_13] : memref<256x768xf32, #tpu.memory_space<vmem>>, vector<256x768xf32>
    %get3A_15 = arith.constant 0 : index
    %get3A_16 = arith.constant 0 : index
    %get3A_17 = vector.load %arg6[%get3A_15, %get3A_16] : memref<768x768xf32, #tpu.memory_space<vmem>>, vector<768x768xf32>
    %dot_general3A_18 = arith.constant dense<0.000000e+00> : vector<256x768xf32>
    %dot_general3A_19 = tpu.matmul %get3A_14, %get3A_17, %dot_general3A_18 {dimension_numbers = #tpu.dot_dimension_numbers<[1], [0], [0], [1], [0, 0, 1, 1], [], []>, transpose_lhs_hint = false} : vector<256x768xf32>, vector<768x768xf32>, vector<256x768xf32> -> vector<256x768xf32>
    %get3A_20 = arith.constant 0 : index
    %get3A_21 = arith.constant 0 : index
    %get3A_22 = vector.load %arg7[%get3A_20, %get3A_21] : memref<1x768xf32, #tpu.memory_space<vmem>>, vector<1x768xf32>
    %add3A_23 = vector.broadcast %get3A_22 : vector<1x768xf32> to vector<256x768xf32>
    %add3A_24 = arith.addf %dot_general3A_19, %add3A_23 : vector<256x768xf32>
    %swap3A_25 = arith.constant 0 : index
    %swap3A_26 = arith.constant 0 : index
    %swap3A_27 = vector.load %arg11[%swap3A_25, %swap3A_26] : memref<256x768xf32, #tpu.memory_space<vmem>>, vector<256x768xf32>
    tpu.vector_store %arg11[%swap3A_25, %swap3A_26], %add3A_24 {strides = array<i32>} : memref<256x768xf32, #tpu.memory_space<vmem>>, vector<256x768xf32>,
    %get3A_28 = arith.constant 0 : index
    %get3A_29 = arith.constant 0 : index
    %get3A_30 = vector.load %arg3[%get3A_28, %get3A_29] : memref<256x768xf32, #tpu.memory_space<vmem>>, vector<256x768xf32>
    %get3A_31 = arith.constant 0 : index
    %get3A_32 = arith.constant 0 : index
    %get3A_33 = vector.load %arg8[%get3A_31, %get3A_32] : memref<768x768xf32, #tpu.memory_space<vmem>>, vector<768x768xf32>
    %dot_general3A_34 = arith.constant dense<0.000000e+00> : vector<256x768xf32>
    %dot_general3A_35 = tpu.matmul %get3A_30, %get3A_33, %dot_general3A_34 {dimension_numbers = #tpu.dot_dimension_numbers<[1], [0], [0], [1], [0, 0, 1, 1], [], []>, transpose_lhs_hint = false} : vector<256x768xf32>, vector<768x768xf32>, vector<256x768xf32> -> vector<256x768xf32>
    %get3A_36 = arith.constant 0 : index
    %get3A_37 = arith.constant 0 : index
    %get3A_38 = vector.load %arg9[%get3A_36, %get3A_37] : memref<1x768xf32, #tpu.memory_space<vmem>>, vector<1x768xf32>
    %add3A_39 = vector.broadcast %get3A_38 : vector<1x768xf32> to vector<256x768xf32>
    %add3A_40 = arith.addf %dot_general3A_35, %add3A_39 : vector<256x768xf32>
    %swap3A_41 = arith.constant 0 : index
    %swap3A_42 = arith.constant 0 : index
    %swap3A_43 = vector.load %arg12[%swap3A_41, %swap3A_42] : memref<256x768xf32, #tpu.memory_space<vmem>>, vector<256x768xf32>
    tpu.vector_store %arg12[%swap3A_41, %swap3A_42], %add3A_40 {strides = array<i32>} : memref<256x768xf32, #tpu.memory_space<vmem>>, vector<256x768xf32>,
    return
  }
  func.func @transform_0(%arg0: i32) -> (i32, i32) {
    %c0_i32 = arith.constant 0 : i32
    %c0_i32_0 = arith.constant 0 : i32
    return %arg0, %c0_i32 : i32, i32
  }
  func.func @transform_1(%arg0: i32) -> (i32, i32) {
    %c0_i32 = arith.constant 0 : i32
    %c0_i32_0 = arith.constant 0 : i32
    return %arg0, %c0_i32 : i32, i32
  }
  func.func @transform_2(%arg0: i32) -> (i32, i32) {
    %c0_i32 = arith.constant 0 : i32
    %c0_i32_0 = arith.constant 0 : i32
    return %arg0, %c0_i32 : i32, i32
  }
  func.func @transform_3(%arg0: i32) -> (i32, i32) {
    %c0_i32 = arith.constant 0 : i32
    %c0_i32_0 = arith.constant 0 : i32
    %c0_i32_1 = arith.constant 0 : i32
    return %c0_i32, %c0_i32_0 : i32, i32
  }
  func.func @transform_4(%arg0: i32) -> (i32, i32) {
    %c0_i32 = arith.constant 0 : i32
    %c0_i32_0 = arith.constant 0 : i32
    %c0_i32_1 = arith.constant 0 : i32
    return %c0_i32, %c0_i32_0 : i32, i32
  }
  func.func @transform_5(%arg0: i32) -> (i32, i32) {
    %c0_i32 = arith.constant 0 : i32
    %c0_i32_0 = arith.constant 0 : i32
    %c0_i32_1 = arith.constant 0 : i32
    return %c0_i32, %c0_i32_0 : i32, i32
  }
  func.func @transform_6(%arg0: i32) -> (i32, i32) {
    %c0_i32 = arith.constant 0 : i32
    %c0_i32_0 = arith.constant 0 : i32
    %c0_i32_1 = arith.constant 0 : i32
    return %c0_i32, %c0_i32_0 : i32, i32
  }
  func.func @transform_7(%arg0: i32) -> (i32, i32) {
    %c0_i32 = arith.constant 0 : i32
    %c0_i32_0 = arith.constant 0 : i32
    %c0_i32_1 = arith.constant 0 : i32
    return %c0_i32, %c0_i32_0 : i32, i32
  }
  func.func @transform_8(%arg0: i32) -> (i32, i32) {
    %c0_i32 = arith.constant 0 : i32
    %c0_i32_0 = arith.constant 0 : i32
    %c0_i32_1 = arith.constant 0 : i32
    return %c0_i32, %c0_i32_0 : i32, i32
  }
  func.func @transform_9(%arg0: i32) -> (i32, i32) {
    %c0_i32 = arith.constant 0 : i32
    %c0_i32_0 = arith.constant 0 : i32
    return %arg0, %c0_i32 : i32, i32
  }
  func.func @transform_10(%arg0: i32) -> (i32, i32) {
    %c0_i32 = arith.constant 0 : i32
    %c0_i32_0 = arith.constant 0 : i32
    return %arg0, %c0_i32 : i32, i32
  }
  func.func @transform_11(%arg0: i32) -> (i32, i32) {
    %c0_i32 = arith.constant 0 : i32
    %c0_i32_0 = arith.constant 0 : i32
    return %arg0, %c0_i32 : i32, i32
  }
}

module attributes {stable_mosaic.version = 14 : i64} {
  func.func @_select_body(%arg0: memref<12x2048xf32, #tpu.memory_space<vmem>>, %arg1: memref<12x2048xf32, #tpu.memory_space<vmem>>, %arg2: memref<12x2048xf32, #tpu.memory_space<vmem>>, %arg3: memref<2048x768xf32, #tpu.memory_space<vmem>>, %arg4: memref<2048x768xf32, #tpu.memory_space<vmem>>) attributes {dimension_semantics = [], scalar_prefetch = 0 : i64, scratch_operands = 0 : i64, tpu.core_type = #tpu.core_type<tc>} {
    %get3A = arith.constant 0 : index
    %get3A_0 = arith.constant 0 : index
    %get3A_1 = vector.load %arg0[%get3A, %get3A_0] : memref<12x2048xf32, #tpu.memory_space<vmem>>, vector<12x2048xf32>
    %reduce_min3A = arith.constant dense<0x7F800000> : vector<12xf32>
    %reduce_min3A_2 = vector.multi_reduction <minimumf>, %get3A_1, %reduce_min3A [1] : vector<12x2048xf32> to vector<12xf32>
    %broadcast_in_dim3A = vector.shape_cast %reduce_min3A_2 : vector<12xf32> to vector<12x1xf32>
    %sub3A = arith.constant 1.000000e+00 : f32
    %sub3A_3 = vector.broadcast %sub3A : f32 to vector<12x1xf32>
    %sub3A_4 = arith.subf %broadcast_in_dim3A, %sub3A_3 : vector<12x1xf32>
    %reduce_max3A = arith.constant dense<0xFF800000> : vector<12xf32>
    %reduce_max3A_5 = vector.multi_reduction <maximumf>, %get3A_1, %reduce_max3A [1] : vector<12x2048xf32> to vector<12xf32>
    %broadcast_in_dim3A_6 = vector.shape_cast %reduce_max3A_5 : vector<12xf32> to vector<12x1xf32>
    %scan3A = arith.constant 0 : i32
    %scan3A_7 = arith.constant 60 : i32
    %scan3A_8 = arith.addi %scan3A, %scan3A_7 : i32
    %scan3A_9 = arith.constant 1 : i32
    %scan3A_10:2 = scf.for %scan3A_183 = %scan3A to %scan3A_8 step %scan3A_9 iter_args(%scan3A_184 = %sub3A_4, %scan3A_185 = %broadcast_in_dim3A_6) -> (vector<12x1xf32>, vector<12x1xf32>)  : i32 {
      %add3A_186 = arith.addf %scan3A_184, %scan3A_185 : vector<12x1xf32>
      %mul3A_187 = arith.constant 5.000000e-01 : f32
      %mul3A_188 = vector.broadcast %mul3A_187 : f32 to vector<12x1xf32>
      %mul3A_189 = arith.mulf %mul3A_188, %add3A_186 : vector<12x1xf32>
      %gt3A_190 = vector.broadcast %mul3A_189 : vector<12x1xf32> to vector<12x2048xf32>
      %gt3A_191 = arith.cmpf ogt, %get3A_1, %gt3A_190 : vector<12x2048xf32>
      %convert_element_type3A_192 = arith.extui %gt3A_191 : vector<12x2048xi1> to vector<12x2048xi32>
      %convert_element_type3A_193 = arith.sitofp %convert_element_type3A_192 : vector<12x2048xi32> to vector<12x2048xf32>
      %reduce_sum3A_194 = arith.constant dense<0.000000e+00> : vector<12xf32>
      %reduce_sum3A_195 = vector.multi_reduction <add>, %convert_element_type3A_193, %reduce_sum3A_194 [1] : vector<12x2048xf32> to vector<12xf32>
      %broadcast_in_dim3A_196 = vector.shape_cast %reduce_sum3A_195 : vector<12xf32> to vector<12x1xf32>
      %ge3A = arith.constant 5.120000e+02 : f32
      %ge3A_197 = vector.broadcast %ge3A : f32 to vector<12x1xf32>
      %ge3A_198 = arith.cmpf oge, %broadcast_in_dim3A_196, %ge3A_197 : vector<12x1xf32>
      %select_n3A_199 = arith.select %ge3A_198, %mul3A_189, %scan3A_184 : vector<12x1xi1>, vector<12x1xf32>
      %select_n3A_200 = arith.select %ge3A_198, %scan3A_185, %mul3A_189 : vector<12x1xi1>, vector<12x1xf32>
      scf.yield %select_n3A_199, %select_n3A_200 : vector<12x1xf32>, vector<12x1xf32>
    }
    %le3A = vector.broadcast %scan3A_10#1 : vector<12x1xf32> to vector<12x2048xf32>
    %le3A_11 = arith.cmpf ole, %get3A_1, %le3A : vector<12x2048xf32>
    %jit3A = arith.constant -1.000000e+30 : f32
    %broadcast_in_dim3A_12 = vector.broadcast %jit3A : f32 to vector<12x2048xf32>
    %select_n3A = arith.select %le3A_11, %get3A_1, %broadcast_in_dim3A_12 : vector<12x2048xi1>, vector<12x2048xf32>
    %reduce_max3A_13 = arith.constant dense<0xFF800000> : vector<12xf32>
    %reduce_max3A_14 = vector.multi_reduction <maximumf>, %select_n3A, %reduce_max3A_13 [1] : vector<12x2048xf32> to vector<12xf32>
    %broadcast_in_dim3A_15 = vector.shape_cast %reduce_max3A_14 : vector<12xf32> to vector<12x1xf32>
    %gt3A = vector.broadcast %broadcast_in_dim3A_15 : vector<12x1xf32> to vector<12x2048xf32>
    %gt3A_16 = arith.cmpf ogt, %get3A_1, %gt3A : vector<12x2048xf32>
    %convert_element_type3A = arith.extui %gt3A_16 : vector<12x2048xi1> to vector<12x2048xi32>
    %convert_element_type3A_17 = arith.sitofp %convert_element_type3A : vector<12x2048xi32> to vector<12x2048xf32>
    %reduce_sum3A = arith.constant dense<0.000000e+00> : vector<12xf32>
    %reduce_sum3A_18 = vector.multi_reduction <add>, %convert_element_type3A_17, %reduce_sum3A [1] : vector<12x2048xf32> to vector<12xf32>
    %broadcast_in_dim3A_19 = vector.shape_cast %reduce_sum3A_18 : vector<12xf32> to vector<12x1xf32>
    %sub3A_20 = arith.constant 5.120000e+02 : f32
    %sub3A_21 = vector.broadcast %sub3A_20 : f32 to vector<12x1xf32>
    %sub3A_22 = arith.subf %sub3A_21, %broadcast_in_dim3A_19 : vector<12x1xf32>
    %eq3A = vector.broadcast %broadcast_in_dim3A_15 : vector<12x1xf32> to vector<12x2048xf32>
    %eq3A_23 = arith.cmpf oeq, %get3A_1, %eq3A : vector<12x2048xf32>
    %convert_element_type3A_24 = arith.extui %eq3A_23 : vector<12x2048xi1> to vector<12x2048xi32>
    %convert_element_type3A_25 = arith.sitofp %convert_element_type3A_24 : vector<12x2048xi32> to vector<12x2048xf32>
    %broadcast_in_dim3A_26 = arith.constant 0.000000e+00 : f32
    %broadcast_in_dim3A_27 = vector.broadcast %broadcast_in_dim3A_26 : f32 to vector<12x1xf32>
    %slice3A = vector.extract_strided_slice %convert_element_type3A_25 {offsets = [0, 0], sizes = [12, 2047], strides = [1, 1]} : vector<12x2048xf32> to vector<12x2047xf32>
    %concatenate3A = tpu.concatenate %broadcast_in_dim3A_27, %slice3A in 1 : vector<12x1xf32>, vector<12x2047xf32> -> vector<12x2048xf32>
    %add3A = arith.addf %convert_element_type3A_25, %concatenate3A : vector<12x2048xf32>
    %broadcast_in_dim3A_28 = arith.constant 0.000000e+00 : f32
    %broadcast_in_dim3A_29 = vector.broadcast %broadcast_in_dim3A_28 : f32 to vector<12x2xf32>
    %slice3A_30 = vector.extract_strided_slice %add3A {offsets = [0, 0], sizes = [12, 2046], strides = [1, 1]} : vector<12x2048xf32> to vector<12x2046xf32>
    %concatenate3A_31 = tpu.concatenate %broadcast_in_dim3A_29, %slice3A_30 in 1 : vector<12x2xf32>, vector<12x2046xf32> -> vector<12x2048xf32>
    %add3A_32 = arith.addf %add3A, %concatenate3A_31 : vector<12x2048xf32>
    %broadcast_in_dim3A_33 = arith.constant 0.000000e+00 : f32
    %broadcast_in_dim3A_34 = vector.broadcast %broadcast_in_dim3A_33 : f32 to vector<12x4xf32>
    %slice3A_35 = vector.extract_strided_slice %add3A_32 {offsets = [0, 0], sizes = [12, 2044], strides = [1, 1]} : vector<12x2048xf32> to vector<12x2044xf32>
    %concatenate3A_36 = tpu.concatenate %broadcast_in_dim3A_34, %slice3A_35 in 1 : vector<12x4xf32>, vector<12x2044xf32> -> vector<12x2048xf32>
    %add3A_37 = arith.addf %add3A_32, %concatenate3A_36 : vector<12x2048xf32>
    %broadcast_in_dim3A_38 = arith.constant 0.000000e+00 : f32
    %broadcast_in_dim3A_39 = vector.broadcast %broadcast_in_dim3A_38 : f32 to vector<12x8xf32>
    %slice3A_40 = vector.extract_strided_slice %add3A_37 {offsets = [0, 0], sizes = [12, 2040], strides = [1, 1]} : vector<12x2048xf32> to vector<12x2040xf32>
    %concatenate3A_41 = tpu.concatenate %broadcast_in_dim3A_39, %slice3A_40 in 1 : vector<12x8xf32>, vector<12x2040xf32> -> vector<12x2048xf32>
    %add3A_42 = arith.addf %add3A_37, %concatenate3A_41 : vector<12x2048xf32>
    %broadcast_in_dim3A_43 = arith.constant 0.000000e+00 : f32
    %broadcast_in_dim3A_44 = vector.broadcast %broadcast_in_dim3A_43 : f32 to vector<12x16xf32>
    %slice3A_45 = vector.extract_strided_slice %add3A_42 {offsets = [0, 0], sizes = [12, 2032], strides = [1, 1]} : vector<12x2048xf32> to vector<12x2032xf32>
    %concatenate3A_46 = tpu.concatenate %broadcast_in_dim3A_44, %slice3A_45 in 1 : vector<12x16xf32>, vector<12x2032xf32> -> vector<12x2048xf32>
    %add3A_47 = arith.addf %add3A_42, %concatenate3A_46 : vector<12x2048xf32>
    %broadcast_in_dim3A_48 = arith.constant 0.000000e+00 : f32
    %broadcast_in_dim3A_49 = vector.broadcast %broadcast_in_dim3A_48 : f32 to vector<12x32xf32>
    %slice3A_50 = vector.extract_strided_slice %add3A_47 {offsets = [0, 0], sizes = [12, 2016], strides = [1, 1]} : vector<12x2048xf32> to vector<12x2016xf32>
    %concatenate3A_51 = tpu.concatenate %broadcast_in_dim3A_49, %slice3A_50 in 1 : vector<12x32xf32>, vector<12x2016xf32> -> vector<12x2048xf32>
    %add3A_52 = arith.addf %add3A_47, %concatenate3A_51 : vector<12x2048xf32>
    %broadcast_in_dim3A_53 = arith.constant 0.000000e+00 : f32
    %broadcast_in_dim3A_54 = vector.broadcast %broadcast_in_dim3A_53 : f32 to vector<12x64xf32>
    %slice3A_55 = vector.extract_strided_slice %add3A_52 {offsets = [0, 0], sizes = [12, 1984], strides = [1, 1]} : vector<12x2048xf32> to vector<12x1984xf32>
    %concatenate3A_56 = tpu.concatenate %broadcast_in_dim3A_54, %slice3A_55 in 1 : vector<12x64xf32>, vector<12x1984xf32> -> vector<12x2048xf32>
    %add3A_57 = arith.addf %add3A_52, %concatenate3A_56 : vector<12x2048xf32>
    %broadcast_in_dim3A_58 = arith.constant 0.000000e+00 : f32
    %broadcast_in_dim3A_59 = vector.broadcast %broadcast_in_dim3A_58 : f32 to vector<12x128xf32>
    %slice3A_60 = vector.extract_strided_slice %add3A_57 {offsets = [0, 0], sizes = [12, 1920], strides = [1, 1]} : vector<12x2048xf32> to vector<12x1920xf32>
    %concatenate3A_61 = tpu.concatenate %broadcast_in_dim3A_59, %slice3A_60 in 1 : vector<12x128xf32>, vector<12x1920xf32> -> vector<12x2048xf32>
    %add3A_62 = arith.addf %add3A_57, %concatenate3A_61 : vector<12x2048xf32>
    %broadcast_in_dim3A_63 = arith.constant 0.000000e+00 : f32
    %broadcast_in_dim3A_64 = vector.broadcast %broadcast_in_dim3A_63 : f32 to vector<12x256xf32>
    %slice3A_65 = vector.extract_strided_slice %add3A_62 {offsets = [0, 0], sizes = [12, 1792], strides = [1, 1]} : vector<12x2048xf32> to vector<12x1792xf32>
    %concatenate3A_66 = tpu.concatenate %broadcast_in_dim3A_64, %slice3A_65 in 1 : vector<12x256xf32>, vector<12x1792xf32> -> vector<12x2048xf32>
    %add3A_67 = arith.addf %add3A_62, %concatenate3A_66 : vector<12x2048xf32>
    %broadcast_in_dim3A_68 = arith.constant 0.000000e+00 : f32
    %broadcast_in_dim3A_69 = vector.broadcast %broadcast_in_dim3A_68 : f32 to vector<12x512xf32>
    %slice3A_70 = vector.extract_strided_slice %add3A_67 {offsets = [0, 0], sizes = [12, 1536], strides = [1, 1]} : vector<12x2048xf32> to vector<12x1536xf32>
    %concatenate3A_71 = tpu.concatenate %broadcast_in_dim3A_69, %slice3A_70 in 1 : vector<12x512xf32>, vector<12x1536xf32> -> vector<12x2048xf32>
    %add3A_72 = arith.addf %add3A_67, %concatenate3A_71 : vector<12x2048xf32>
    %broadcast_in_dim3A_73 = arith.constant 0.000000e+00 : f32
    %broadcast_in_dim3A_74 = vector.broadcast %broadcast_in_dim3A_73 : f32 to vector<12x1024xf32>
    %slice3A_75 = vector.extract_strided_slice %add3A_72 {offsets = [0, 0], sizes = [12, 1024], strides = [1, 1]} : vector<12x2048xf32> to vector<12x1024xf32>
    %concatenate3A_76 = tpu.concatenate %broadcast_in_dim3A_74, %slice3A_75 in 1 : vector<12x1024xf32>, vector<12x1024xf32> -> vector<12x2048xf32>
    %add3A_77 = arith.addf %add3A_72, %concatenate3A_76 : vector<12x2048xf32>
    %sub3A_78 = arith.subf %add3A_77, %convert_element_type3A_25 : vector<12x2048xf32>
    %lt3A = vector.broadcast %sub3A_22 : vector<12x1xf32> to vector<12x2048xf32>
    %lt3A_79 = arith.cmpf olt, %sub3A_78, %lt3A : vector<12x2048xf32>
    %convert_element_type3A_80 = arith.extui %lt3A_79 : vector<12x2048xi1> to vector<12x2048xi32>
    %convert_element_type3A_81 = arith.sitofp %convert_element_type3A_80 : vector<12x2048xi32> to vector<12x2048xf32>
    %mul3A = arith.mulf %convert_element_type3A_25, %convert_element_type3A_81 : vector<12x2048xf32>
    %add3A_82 = arith.addf %convert_element_type3A_17, %mul3A : vector<12x2048xf32>
    %swap3A = arith.constant 0 : index
    %swap3A_83 = arith.constant 0 : index
    %swap3A_84 = vector.load %arg1[%swap3A, %swap3A_83] : memref<12x2048xf32, #tpu.memory_space<vmem>>, vector<12x2048xf32>
    tpu.vector_store %arg1[%swap3A, %swap3A_83], %add3A_82 {strides = array<i32>} : memref<12x2048xf32, #tpu.memory_space<vmem>>, vector<12x2048xf32>,
    %broadcast_in_dim3A_85 = arith.constant 0.000000e+00 : f32
    %broadcast_in_dim3A_86 = vector.broadcast %broadcast_in_dim3A_85 : f32 to vector<12x1xf32>
    %slice3A_87 = vector.extract_strided_slice %add3A_82 {offsets = [0, 0], sizes = [12, 2047], strides = [1, 1]} : vector<12x2048xf32> to vector<12x2047xf32>
    %concatenate3A_88 = tpu.concatenate %broadcast_in_dim3A_86, %slice3A_87 in 1 : vector<12x1xf32>, vector<12x2047xf32> -> vector<12x2048xf32>
    %add3A_89 = arith.addf %add3A_82, %concatenate3A_88 : vector<12x2048xf32>
    %broadcast_in_dim3A_90 = arith.constant 0.000000e+00 : f32
    %broadcast_in_dim3A_91 = vector.broadcast %broadcast_in_dim3A_90 : f32 to vector<12x2xf32>
    %slice3A_92 = vector.extract_strided_slice %add3A_89 {offsets = [0, 0], sizes = [12, 2046], strides = [1, 1]} : vector<12x2048xf32> to vector<12x2046xf32>
    %concatenate3A_93 = tpu.concatenate %broadcast_in_dim3A_91, %slice3A_92 in 1 : vector<12x2xf32>, vector<12x2046xf32> -> vector<12x2048xf32>
    %add3A_94 = arith.addf %add3A_89, %concatenate3A_93 : vector<12x2048xf32>
    %broadcast_in_dim3A_95 = arith.constant 0.000000e+00 : f32
    %broadcast_in_dim3A_96 = vector.broadcast %broadcast_in_dim3A_95 : f32 to vector<12x4xf32>
    %slice3A_97 = vector.extract_strided_slice %add3A_94 {offsets = [0, 0], sizes = [12, 2044], strides = [1, 1]} : vector<12x2048xf32> to vector<12x2044xf32>
    %concatenate3A_98 = tpu.concatenate %broadcast_in_dim3A_96, %slice3A_97 in 1 : vector<12x4xf32>, vector<12x2044xf32> -> vector<12x2048xf32>
    %add3A_99 = arith.addf %add3A_94, %concatenate3A_98 : vector<12x2048xf32>
    %broadcast_in_dim3A_100 = arith.constant 0.000000e+00 : f32
    %broadcast_in_dim3A_101 = vector.broadcast %broadcast_in_dim3A_100 : f32 to vector<12x8xf32>
    %slice3A_102 = vector.extract_strided_slice %add3A_99 {offsets = [0, 0], sizes = [12, 2040], strides = [1, 1]} : vector<12x2048xf32> to vector<12x2040xf32>
    %concatenate3A_103 = tpu.concatenate %broadcast_in_dim3A_101, %slice3A_102 in 1 : vector<12x8xf32>, vector<12x2040xf32> -> vector<12x2048xf32>
    %add3A_104 = arith.addf %add3A_99, %concatenate3A_103 : vector<12x2048xf32>
    %broadcast_in_dim3A_105 = arith.constant 0.000000e+00 : f32
    %broadcast_in_dim3A_106 = vector.broadcast %broadcast_in_dim3A_105 : f32 to vector<12x16xf32>
    %slice3A_107 = vector.extract_strided_slice %add3A_104 {offsets = [0, 0], sizes = [12, 2032], strides = [1, 1]} : vector<12x2048xf32> to vector<12x2032xf32>
    %concatenate3A_108 = tpu.concatenate %broadcast_in_dim3A_106, %slice3A_107 in 1 : vector<12x16xf32>, vector<12x2032xf32> -> vector<12x2048xf32>
    %add3A_109 = arith.addf %add3A_104, %concatenate3A_108 : vector<12x2048xf32>
    %broadcast_in_dim3A_110 = arith.constant 0.000000e+00 : f32
    %broadcast_in_dim3A_111 = vector.broadcast %broadcast_in_dim3A_110 : f32 to vector<12x32xf32>
    %slice3A_112 = vector.extract_strided_slice %add3A_109 {offsets = [0, 0], sizes = [12, 2016], strides = [1, 1]} : vector<12x2048xf32> to vector<12x2016xf32>
    %concatenate3A_113 = tpu.concatenate %broadcast_in_dim3A_111, %slice3A_112 in 1 : vector<12x32xf32>, vector<12x2016xf32> -> vector<12x2048xf32>
    %add3A_114 = arith.addf %add3A_109, %concatenate3A_113 : vector<12x2048xf32>
    %broadcast_in_dim3A_115 = arith.constant 0.000000e+00 : f32
    %broadcast_in_dim3A_116 = vector.broadcast %broadcast_in_dim3A_115 : f32 to vector<12x64xf32>
    %slice3A_117 = vector.extract_strided_slice %add3A_114 {offsets = [0, 0], sizes = [12, 1984], strides = [1, 1]} : vector<12x2048xf32> to vector<12x1984xf32>
    %concatenate3A_118 = tpu.concatenate %broadcast_in_dim3A_116, %slice3A_117 in 1 : vector<12x64xf32>, vector<12x1984xf32> -> vector<12x2048xf32>
    %add3A_119 = arith.addf %add3A_114, %concatenate3A_118 : vector<12x2048xf32>
    %broadcast_in_dim3A_120 = arith.constant 0.000000e+00 : f32
    %broadcast_in_dim3A_121 = vector.broadcast %broadcast_in_dim3A_120 : f32 to vector<12x128xf32>
    %slice3A_122 = vector.extract_strided_slice %add3A_119 {offsets = [0, 0], sizes = [12, 1920], strides = [1, 1]} : vector<12x2048xf32> to vector<12x1920xf32>
    %concatenate3A_123 = tpu.concatenate %broadcast_in_dim3A_121, %slice3A_122 in 1 : vector<12x128xf32>, vector<12x1920xf32> -> vector<12x2048xf32>
    %add3A_124 = arith.addf %add3A_119, %concatenate3A_123 : vector<12x2048xf32>
    %broadcast_in_dim3A_125 = arith.constant 0.000000e+00 : f32
    %broadcast_in_dim3A_126 = vector.broadcast %broadcast_in_dim3A_125 : f32 to vector<12x256xf32>
    %slice3A_127 = vector.extract_strided_slice %add3A_124 {offsets = [0, 0], sizes = [12, 1792], strides = [1, 1]} : vector<12x2048xf32> to vector<12x1792xf32>
    %concatenate3A_128 = tpu.concatenate %broadcast_in_dim3A_126, %slice3A_127 in 1 : vector<12x256xf32>, vector<12x1792xf32> -> vector<12x2048xf32>
    %add3A_129 = arith.addf %add3A_124, %concatenate3A_128 : vector<12x2048xf32>
    %broadcast_in_dim3A_130 = arith.constant 0.000000e+00 : f32
    %broadcast_in_dim3A_131 = vector.broadcast %broadcast_in_dim3A_130 : f32 to vector<12x512xf32>
    %slice3A_132 = vector.extract_strided_slice %add3A_129 {offsets = [0, 0], sizes = [12, 1536], strides = [1, 1]} : vector<12x2048xf32> to vector<12x1536xf32>
    %concatenate3A_133 = tpu.concatenate %broadcast_in_dim3A_131, %slice3A_132 in 1 : vector<12x512xf32>, vector<12x1536xf32> -> vector<12x2048xf32>
    %add3A_134 = arith.addf %add3A_129, %concatenate3A_133 : vector<12x2048xf32>
    %broadcast_in_dim3A_135 = arith.constant 0.000000e+00 : f32
    %broadcast_in_dim3A_136 = vector.broadcast %broadcast_in_dim3A_135 : f32 to vector<12x1024xf32>
    %slice3A_137 = vector.extract_strided_slice %add3A_134 {offsets = [0, 0], sizes = [12, 1024], strides = [1, 1]} : vector<12x2048xf32> to vector<12x1024xf32>
    %concatenate3A_138 = tpu.concatenate %broadcast_in_dim3A_136, %slice3A_137 in 1 : vector<12x1024xf32>, vector<12x1024xf32> -> vector<12x2048xf32>
    %add3A_139 = arith.addf %add3A_134, %concatenate3A_138 : vector<12x2048xf32>
    %sub3A_140 = arith.subf %add3A_139, %add3A_82 : vector<12x2048xf32>
    %swap3A_141 = arith.constant 0 : index
    %swap3A_142 = arith.constant 0 : index
    %swap3A_143 = vector.load %arg2[%swap3A_141, %swap3A_142] : memref<12x2048xf32, #tpu.memory_space<vmem>>, vector<12x2048xf32>
    tpu.vector_store %arg2[%swap3A_141, %swap3A_142], %sub3A_140 {strides = array<i32>} : memref<12x2048xf32, #tpu.memory_space<vmem>>, vector<12x2048xf32>,
    %iota3A = tpu.iota {dimensions = array<i32: 0>} : vector<768x12xi32>
    %iota3A_144 = tpu.iota {dimensions = array<i32: 1>} : vector<768x12xi32>
    %jit3A_145 = arith.constant 64 : i32
    %div3A = vector.broadcast %jit3A_145 : i32 to vector<768x12xi32>
    %div3A_146 = arith.divsi %iota3A, %div3A : vector<768x12xi32>
    %sign3A = arith.constant 0 : i32
    %sign3A_147 = vector.broadcast %sign3A : i32 to vector<768x12xi32>
    %sign3A_148 = arith.cmpi sgt, %iota3A, %sign3A_147 : vector<768x12xi32>
    %sign3A_149 = arith.extui %sign3A_148 : vector<768x12xi1> to vector<768x12xi32>
    %sign3A_150 = arith.constant 0 : i32
    %sign3A_151 = vector.broadcast %sign3A_150 : i32 to vector<768x12xi32>
    %sign3A_152 = arith.cmpi slt, %iota3A, %sign3A_151 : vector<768x12xi32>
    %sign3A_153 = arith.extui %sign3A_152 : vector<768x12xi1> to vector<768x12xi32>
    %sign3A_154 = arith.subi %sign3A_149, %sign3A_153 : vector<768x12xi32>
    %sign3A_155 = arith.constant 0 : i32
    %sign3A_156 = arith.cmpi sgt, %jit3A_145, %sign3A_155 : i32
    %sign3A_157 = arith.extui %sign3A_156 : i1 to i32
    %sign3A_158 = arith.constant 0 : i32
    %sign3A_159 = arith.cmpi slt, %jit3A_145, %sign3A_158 : i32
    %sign3A_160 = arith.extui %sign3A_159 : i1 to i32
    %sign3A_161 = arith.subi %sign3A_157, %sign3A_160 : i32
    %ne3A = vector.broadcast %sign3A_161 : i32 to vector<768x12xi32>
    %ne3A_162 = arith.cmpi ne, %sign3A_154, %ne3A : vector<768x12xi32>
    %rem3A = vector.broadcast %jit3A_145 : i32 to vector<768x12xi32>
    %rem3A_163 = arith.remsi %iota3A, %rem3A : vector<768x12xi32>
    %ne3A_164 = arith.constant 0 : i32
    %ne3A_165 = vector.broadcast %ne3A_164 : i32 to vector<768x12xi32>
    %ne3A_166 = arith.cmpi ne, %rem3A_163, %ne3A_165 : vector<768x12xi32>
    %and3A = arith.andi %ne3A_162, %ne3A_166 : vector<768x12xi1>
    %sub3A_167 = arith.constant 1 : i32
    %sub3A_168 = vector.broadcast %sub3A_167 : i32 to vector<768x12xi32>
    %sub3A_169 = arith.subi %div3A_146, %sub3A_168 : vector<768x12xi32>
    %select_n3A_170 = arith.select %and3A, %sub3A_169, %div3A_146 : vector<768x12xi1>, vector<768x12xi32>
    %eq3A_171 = arith.cmpi eq, %select_n3A_170, %iota3A_144 : vector<768x12xi32>
    %convert_element_type3A_172 = arith.extui %eq3A_171 : vector<768x12xi1> to vector<768x12xi32>
    %convert_element_type3A_173 = arith.sitofp %convert_element_type3A_172 : vector<768x12xi32> to vector<768x12xf32>
    %dot_general3A = arith.constant dense<0.000000e+00> : vector<2048x768xf32>
    %dot_general3A_174 = tpu.matmul %add3A_82, %convert_element_type3A_173, %dot_general3A {dimension_numbers = #tpu.dot_dimension_numbers<[0], [1], [1], [0], [0, 1, 1, 0], [], []>, precision = #tpu.contract_precision<fp32>, transpose_lhs_hint = false} : vector<12x2048xf32>, vector<768x12xf32>, vector<2048x768xf32> -> vector<2048x768xf32>
    %swap3A_175 = arith.constant 0 : index
    %swap3A_176 = arith.constant 0 : index
    %swap3A_177 = vector.load %arg3[%swap3A_175, %swap3A_176] : memref<2048x768xf32, #tpu.memory_space<vmem>>, vector<2048x768xf32>
    tpu.vector_store %arg3[%swap3A_175, %swap3A_176], %dot_general3A_174 {strides = array<i32>} : memref<2048x768xf32, #tpu.memory_space<vmem>>, vector<2048x768xf32>,
    %dot_general3A_178 = arith.constant dense<0.000000e+00> : vector<2048x768xf32>
    %dot_general3A_179 = tpu.matmul %sub3A_140, %convert_element_type3A_173, %dot_general3A_178 {dimension_numbers = #tpu.dot_dimension_numbers<[0], [1], [1], [0], [0, 1, 1, 0], [], []>, precision = #tpu.contract_precision<fp32>, transpose_lhs_hint = false} : vector<12x2048xf32>, vector<768x12xf32>, vector<2048x768xf32> -> vector<2048x768xf32>
    %swap3A_180 = arith.constant 0 : index
    %swap3A_181 = arith.constant 0 : index
    %swap3A_182 = vector.load %arg4[%swap3A_180, %swap3A_181] : memref<2048x768xf32, #tpu.memory_space<vmem>>, vector<2048x768xf32>
    tpu.vector_store %arg4[%swap3A_180, %swap3A_181], %dot_general3A_179 {strides = array<i32>} : memref<2048x768xf32, #tpu.memory_space<vmem>>, vector<2048x768xf32>,
    return
  }
}

module attributes {stable_mosaic.version = 14 : i64} {
  func.func @_attn_body(%arg0: i32, %arg1: memref<2x512x128xf32, #tpu.memory_space<vmem>>, %arg2: memref<2048x128xf32, #tpu.memory_space<vmem>>, %arg3: memref<2048x128xf32, #tpu.memory_space<vmem>>, %arg4: memref<2048x128xf32, #tpu.memory_space<vmem>>, %arg5: memref<2048x128xf32, #tpu.memory_space<vmem>>, %arg6: memref<2048x128xf32, #tpu.memory_space<vmem>>) attributes {dimension_semantics = [#tpu.dimension_semantics<arbitrary>], iteration_bounds = array<i64: 6>, scalar_prefetch = 0 : i64, scratch_operands = 0 : i64, tpu.core_type = #tpu.core_type<tc>, window_params = [{transform_indices = @transform_0, window_bounds = array<i64: 2, 512, 128>}, {transform_indices = @transform_1, window_bounds = array<i64: 2048, 128>}, {transform_indices = @transform_2, window_bounds = array<i64: 2048, 128>}, {transform_indices = @transform_3, window_bounds = array<i64: 2048, 128>}, {transform_indices = @transform_4, window_bounds = array<i64: 2048, 128>}, {transform_indices = @transform_5, window_bounds = array<i64: 2048, 128>}]} {
    %iota3A = tpu.iota {dimensions = array<i32: 1>} : vector<1x512xi32>
    %get3A = arith.constant 0 : index
    %get3A_0 = arith.constant 0 : index
    %get3A_1 = arith.constant 0 : index
    %get3A_2 = vector.load %arg1[%get3A, %get3A_0, %get3A_1] : memref<2x512x128xf32, #tpu.memory_space<vmem>>, vector<1x512x128xf32>
    %get3A_3 = vector.shape_cast %get3A_2 : vector<1x512x128xf32> to vector<512x128xf32>
    %slice3A = vector.extract_strided_slice %get3A_3 {offsets = [0, 0], sizes = [512, 64], strides = [1, 1]} : vector<512x128xf32> to vector<512x64xf32>
    %get3A_4 = arith.constant 0 : index
    %get3A_5 = arith.constant 0 : index
    %get3A_6 = vector.load %arg2[%get3A_4, %get3A_5] : memref<2048x128xf32, #tpu.memory_space<vmem>>, vector<2048x64xf32>
    %dot_general3A = arith.constant dense<0.000000e+00> : vector<512x2048xf32>
    %dot_general3A_7 = tpu.matmul %slice3A, %get3A_6, %dot_general3A {dimension_numbers = #tpu.dot_dimension_numbers<[1], [1], [0], [0], [0, 0, 1, 0], [], []>, transpose_lhs_hint = false} : vector<512x64xf32>, vector<2048x64xf32>, vector<512x2048xf32> -> vector<512x2048xf32>
    %mul3A = arith.constant 1.250000e-01 : f32
    %mul3A_8 = vector.broadcast %mul3A : f32 to vector<512x2048xf32>
    %mul3A_9 = arith.mulf %dot_general3A_7, %mul3A_8 : vector<512x2048xf32>
    %reduce_max3A = arith.constant dense<0xFF800000> : vector<512xf32>
    %reduce_max3A_10 = vector.multi_reduction <maximumf>, %mul3A_9, %reduce_max3A [1] : vector<512x2048xf32> to vector<512xf32>
    %broadcast_in_dim3A = vector.shape_cast %reduce_max3A_10 : vector<512xf32> to vector<512x1xf32>
    %sub3A = vector.broadcast %broadcast_in_dim3A : vector<512x1xf32> to vector<512x2048xf32>
    %sub3A_11 = arith.subf %mul3A_9, %sub3A : vector<512x2048xf32>
    %exp3A = math.exp %sub3A_11 : vector<512x2048xf32>
    %reduce_sum3A = arith.constant dense<0.000000e+00> : vector<512xf32>
    %reduce_sum3A_12 = vector.multi_reduction <add>, %exp3A, %reduce_sum3A [1] : vector<512x2048xf32> to vector<512xf32>
    %broadcast_in_dim3A_13 = vector.shape_cast %reduce_sum3A_12 : vector<512xf32> to vector<512x1xf32>
    %get3A_14 = arith.constant 0 : index
    %get3A_15 = arith.constant 0 : index
    %get3A_16 = vector.load %arg3[%get3A_14, %get3A_15] : memref<2048x128xf32, #tpu.memory_space<vmem>>, vector<2048x64xf32>
    %dot_general3A_17 = arith.constant dense<0.000000e+00> : vector<512x64xf32>
    %dot_general3A_18 = tpu.matmul %exp3A, %get3A_16, %dot_general3A_17 {dimension_numbers = #tpu.dot_dimension_numbers<[1], [0], [0], [1], [0, 0, 1, 1], [], []>, transpose_lhs_hint = false} : vector<512x2048xf32>, vector<2048x64xf32>, vector<512x64xf32> -> vector<512x64xf32>
    %div3A = vector.broadcast %broadcast_in_dim3A_13 : vector<512x1xf32> to vector<512x64xf32>
    %div3A_19 = arith.divf %dot_general3A_18, %div3A : vector<512x64xf32>
    %get3A_20 = arith.constant 0 : index
    %get3A_21 = arith.constant 0 : index
    %get3A_22 = vector.load %arg4[%get3A_20, %get3A_21] : memref<2048x128xf32, #tpu.memory_space<vmem>>, vector<2048x1xf32>
    %get3A_23 = arith.constant 0 : index
    %get3A_24 = arith.constant 0 : index
    %get3A_25 = vector.load %arg5[%get3A_23, %get3A_24] : memref<2048x128xf32, #tpu.memory_space<vmem>>, vector<2048x1xf32>
    %convert_element_type3A = arith.fptosi %get3A_25 : vector<2048x1xf32> to vector<2048x1xi32>
    %eq3A = vector.broadcast %convert_element_type3A : vector<2048x1xi32> to vector<2048x512xi32>
    %eq3A_26 = vector.broadcast %iota3A : vector<1x512xi32> to vector<2048x512xi32>
    %eq3A_27 = arith.cmpi eq, %eq3A, %eq3A_26 : vector<2048x512xi32>
    %convert_element_type3A_28 = arith.extui %eq3A_27 : vector<2048x512xi1> to vector<2048x512xi32>
    %convert_element_type3A_29 = arith.sitofp %convert_element_type3A_28 : vector<2048x512xi32> to vector<2048x512xf32>
    %mul3A_30 = vector.broadcast %get3A_22 : vector<2048x1xf32> to vector<2048x512xf32>
    %mul3A_31 = arith.mulf %convert_element_type3A_29, %mul3A_30 : vector<2048x512xf32>
    %dot_general3A_32 = arith.constant dense<0.000000e+00> : vector<2048x64xf32>
    %dot_general3A_33 = tpu.matmul %mul3A_31, %div3A_19, %dot_general3A_32 {dimension_numbers = #tpu.dot_dimension_numbers<[1], [0], [0], [1], [0, 0, 1, 1], [], []>, transpose_lhs_hint = false} : vector<2048x512xf32>, vector<512x64xf32>, vector<2048x64xf32> -> vector<2048x64xf32>
    %get3A_34 = arith.constant 0 : index
    %get3A_35 = arith.constant 0 : index
    %get3A_36 = vector.load %arg3[%get3A_34, %get3A_35] : memref<2048x128xf32, #tpu.memory_space<vmem>>, vector<2048x64xf32>
    %reduce_sum3A_37 = arith.constant dense<0.000000e+00> : vector<64xf32>
    %reduce_sum3A_38 = vector.multi_reduction <add>, %get3A_36, %reduce_sum3A_37 [0] : vector<2048x64xf32> to vector<64xf32>
    %broadcast_in_dim3A_39 = vector.shape_cast %reduce_sum3A_38 : vector<64xf32> to vector<1x64xf32>
    %div3A_40 = arith.constant 2.048000e+03 : f32
    %div3A_41 = vector.broadcast %div3A_40 : f32 to vector<1x64xf32>
    %div3A_42 = arith.divf %broadcast_in_dim3A_39, %div3A_41 : vector<1x64xf32>
    %sub3A_43 = arith.constant 1.000000e+00 : f32
    %sub3A_44 = vector.broadcast %sub3A_43 : f32 to vector<2048x1xf32>
    %sub3A_45 = arith.subf %sub3A_44, %get3A_22 : vector<2048x1xf32>
    %mul3A_46 = vector.broadcast %div3A_42 : vector<1x64xf32> to vector<2048x64xf32>
    %mul3A_47 = vector.broadcast %sub3A_45 : vector<2048x1xf32> to vector<2048x64xf32>
    %mul3A_48 = arith.mulf %mul3A_46, %mul3A_47 : vector<2048x64xf32>
    %add3A = arith.addf %dot_general3A_33, %mul3A_48 : vector<2048x64xf32>
    %swap3A = arith.constant 0 : index
    %swap3A_49 = arith.constant 0 : index
    %swap3A_50 = vector.load %arg6[%swap3A, %swap3A_49] : memref<2048x128xf32, #tpu.memory_space<vmem>>, vector<2048x64xf32>
    tpu.vector_store %arg6[%swap3A, %swap3A_49], %add3A {strides = array<i32>} : memref<2048x128xf32, #tpu.memory_space<vmem>>, vector<2048x64xf32>,
    %get3A_51 = arith.constant 1 : index
    %get3A_52 = arith.constant 0 : index
    %get3A_53 = arith.constant 0 : index
    %get3A_54 = vector.load %arg1[%get3A_51, %get3A_52, %get3A_53] : memref<2x512x128xf32, #tpu.memory_space<vmem>>, vector<1x512x128xf32>
    %get3A_55 = vector.shape_cast %get3A_54 : vector<1x512x128xf32> to vector<512x128xf32>
    %slice3A_56 = vector.extract_strided_slice %get3A_55 {offsets = [0, 64], sizes = [512, 64], strides = [1, 1]} : vector<512x128xf32> to vector<512x64xf32>
    %get3A_57 = arith.constant 0 : index
    %get3A_58 = arith.constant 64 : index
    %get3A_59 = vector.load %arg2[%get3A_57, %get3A_58] : memref<2048x128xf32, #tpu.memory_space<vmem>>, vector<2048x64xf32>
    %dot_general3A_60 = arith.constant dense<0.000000e+00> : vector<512x2048xf32>
    %dot_general3A_61 = tpu.matmul %slice3A_56, %get3A_59, %dot_general3A_60 {dimension_numbers = #tpu.dot_dimension_numbers<[1], [1], [0], [0], [0, 0, 1, 0], [], []>, transpose_lhs_hint = false} : vector<512x64xf32>, vector<2048x64xf32>, vector<512x2048xf32> -> vector<512x2048xf32>
    %mul3A_62 = arith.constant 1.250000e-01 : f32
    %mul3A_63 = vector.broadcast %mul3A_62 : f32 to vector<512x2048xf32>
    %mul3A_64 = arith.mulf %dot_general3A_61, %mul3A_63 : vector<512x2048xf32>
    %reduce_max3A_65 = arith.constant dense<0xFF800000> : vector<512xf32>
    %reduce_max3A_66 = vector.multi_reduction <maximumf>, %mul3A_64, %reduce_max3A_65 [1] : vector<512x2048xf32> to vector<512xf32>
    %broadcast_in_dim3A_67 = vector.shape_cast %reduce_max3A_66 : vector<512xf32> to vector<512x1xf32>
    %sub3A_68 = vector.broadcast %broadcast_in_dim3A_67 : vector<512x1xf32> to vector<512x2048xf32>
    %sub3A_69 = arith.subf %mul3A_64, %sub3A_68 : vector<512x2048xf32>
    %exp3A_70 = math.exp %sub3A_69 : vector<512x2048xf32>
    %reduce_sum3A_71 = arith.constant dense<0.000000e+00> : vector<512xf32>
    %reduce_sum3A_72 = vector.multi_reduction <add>, %exp3A_70, %reduce_sum3A_71 [1] : vector<512x2048xf32> to vector<512xf32>
    %broadcast_in_dim3A_73 = vector.shape_cast %reduce_sum3A_72 : vector<512xf32> to vector<512x1xf32>
    %get3A_74 = arith.constant 0 : index
    %get3A_75 = arith.constant 64 : index
    %get3A_76 = vector.load %arg3[%get3A_74, %get3A_75] : memref<2048x128xf32, #tpu.memory_space<vmem>>, vector<2048x64xf32>
    %dot_general3A_77 = arith.constant dense<0.000000e+00> : vector<512x64xf32>
    %dot_general3A_78 = tpu.matmul %exp3A_70, %get3A_76, %dot_general3A_77 {dimension_numbers = #tpu.dot_dimension_numbers<[1], [0], [0], [1], [0, 0, 1, 1], [], []>, transpose_lhs_hint = false} : vector<512x2048xf32>, vector<2048x64xf32>, vector<512x64xf32> -> vector<512x64xf32>
    %div3A_79 = vector.broadcast %broadcast_in_dim3A_73 : vector<512x1xf32> to vector<512x64xf32>
    %div3A_80 = arith.divf %dot_general3A_78, %div3A_79 : vector<512x64xf32>
    %get3A_81 = arith.constant 0 : index
    %get3A_82 = arith.constant 64 : index
    %get3A_83 = vector.load %arg4[%get3A_81, %get3A_82] : memref<2048x128xf32, #tpu.memory_space<vmem>>, vector<2048x1xf32>
    %get3A_84 = arith.constant 0 : index
    %get3A_85 = arith.constant 64 : index
    %get3A_86 = vector.load %arg5[%get3A_84, %get3A_85] : memref<2048x128xf32, #tpu.memory_space<vmem>>, vector<2048x1xf32>
    %convert_element_type3A_87 = arith.fptosi %get3A_86 : vector<2048x1xf32> to vector<2048x1xi32>
    %eq3A_88 = vector.broadcast %convert_element_type3A_87 : vector<2048x1xi32> to vector<2048x512xi32>
    %eq3A_89 = vector.broadcast %iota3A : vector<1x512xi32> to vector<2048x512xi32>
    %eq3A_90 = arith.cmpi eq, %eq3A_88, %eq3A_89 : vector<2048x512xi32>
    %convert_element_type3A_91 = arith.extui %eq3A_90 : vector<2048x512xi1> to vector<2048x512xi32>
    %convert_element_type3A_92 = arith.sitofp %convert_element_type3A_91 : vector<2048x512xi32> to vector<2048x512xf32>
    %mul3A_93 = vector.broadcast %get3A_83 : vector<2048x1xf32> to vector<2048x512xf32>
    %mul3A_94 = arith.mulf %convert_element_type3A_92, %mul3A_93 : vector<2048x512xf32>
    %dot_general3A_95 = arith.constant dense<0.000000e+00> : vector<2048x64xf32>
    %dot_general3A_96 = tpu.matmul %mul3A_94, %div3A_80, %dot_general3A_95 {dimension_numbers = #tpu.dot_dimension_numbers<[1], [0], [0], [1], [0, 0, 1, 1], [], []>, transpose_lhs_hint = false} : vector<2048x512xf32>, vector<512x64xf32>, vector<2048x64xf32> -> vector<2048x64xf32>
    %get3A_97 = arith.constant 0 : index
    %get3A_98 = arith.constant 64 : index
    %get3A_99 = vector.load %arg3[%get3A_97, %get3A_98] : memref<2048x128xf32, #tpu.memory_space<vmem>>, vector<2048x64xf32>
    %reduce_sum3A_100 = arith.constant dense<0.000000e+00> : vector<64xf32>
    %reduce_sum3A_101 = vector.multi_reduction <add>, %get3A_99, %reduce_sum3A_100 [0] : vector<2048x64xf32> to vector<64xf32>
    %broadcast_in_dim3A_102 = vector.shape_cast %reduce_sum3A_101 : vector<64xf32> to vector<1x64xf32>
    %div3A_103 = arith.constant 2.048000e+03 : f32
    %div3A_104 = vector.broadcast %div3A_103 : f32 to vector<1x64xf32>
    %div3A_105 = arith.divf %broadcast_in_dim3A_102, %div3A_104 : vector<1x64xf32>
    %sub3A_106 = arith.constant 1.000000e+00 : f32
    %sub3A_107 = vector.broadcast %sub3A_106 : f32 to vector<2048x1xf32>
    %sub3A_108 = arith.subf %sub3A_107, %get3A_83 : vector<2048x1xf32>
    %mul3A_109 = vector.broadcast %div3A_105 : vector<1x64xf32> to vector<2048x64xf32>
    %mul3A_110 = vector.broadcast %sub3A_108 : vector<2048x1xf32> to vector<2048x64xf32>
    %mul3A_111 = arith.mulf %mul3A_109, %mul3A_110 : vector<2048x64xf32>
    %add3A_112 = arith.addf %dot_general3A_96, %mul3A_111 : vector<2048x64xf32>
    %swap3A_113 = arith.constant 0 : index
    %swap3A_114 = arith.constant 64 : index
    %swap3A_115 = vector.load %arg6[%swap3A_113, %swap3A_114] : memref<2048x128xf32, #tpu.memory_space<vmem>>, vector<2048x64xf32>
    tpu.vector_store %arg6[%swap3A_113, %swap3A_114], %add3A_112 {strides = array<i32>} : memref<2048x128xf32, #tpu.memory_space<vmem>>, vector<2048x64xf32>,
    return
  }
  func.func @transform_0(%arg0: i32) -> (i32, i32, i32) {
    %c0_i32 = arith.constant 0 : i32
    %c0_i32_0 = arith.constant 0 : i32
    %c0_i32_1 = arith.constant 0 : i32
    return %arg0, %c0_i32, %c0_i32_0 : i32, i32, i32
  }
  func.func @transform_1(%arg0: i32) -> (i32, i32) {
    %c0_i32 = arith.constant 0 : i32
    %c0_i32_0 = arith.constant 0 : i32
    return %c0_i32, %arg0 : i32, i32
  }
  func.func @transform_2(%arg0: i32) -> (i32, i32) {
    %c0_i32 = arith.constant 0 : i32
    %c0_i32_0 = arith.constant 0 : i32
    return %c0_i32, %arg0 : i32, i32
  }
  func.func @transform_3(%arg0: i32) -> (i32, i32) {
    %c0_i32 = arith.constant 0 : i32
    %c0_i32_0 = arith.constant 0 : i32
    return %c0_i32, %arg0 : i32, i32
  }
  func.func @transform_4(%arg0: i32) -> (i32, i32) {
    %c0_i32 = arith.constant 0 : i32
    %c0_i32_0 = arith.constant 0 : i32
    return %c0_i32, %arg0 : i32, i32
  }
  func.func @transform_5(%arg0: i32) -> (i32, i32) {
    %c0_i32 = arith.constant 0 : i32
    %c0_i32_0 = arith.constant 0 : i32
    return %c0_i32, %arg0 : i32, i32
  }
}

</mosaic_0001>

<sc_bundles>
// kernel: kernel.7.cloned.1.call-start
scs
__scs_entry_jumppad:
0x0: {  	(pc) =	sbr.rel $0x88, $3  }
0x1: {  	(tag) =	ssettag $0x0;
	lr =	simm.s32 $0x1  }
0x2: {  	[smem:$0x3F98] =	sst lr;
	_ =	strace $0xD0000000  }
0x3: {  	_ = 	snop  }
0x4: {  	_ = 	snop  }
0x5: {  	_ = 	snop  }
0x6: {  	_ = 	snop  }
0x7: {  	_ = 	snop  }
__scs_overlays_trampoline_lowered:
0x8: {  	[smem:$0x3FA7] =	sst s0  }
0x9: {  	[smem:$0x3FA8] =	sst s1  }
0xa: {  	[smem:$0x3FA9] =	sst s2  }
0xb: {  	[smem:$0x3FAA] =	sst s3  }
0xc: {  	[smem:$0x3FAB] =	sst s4  }
0xd: {  	[smem:$0x3FAC] =	sst s5  }
0xe: {  	[smem:$0x3FAD] =	sst s6  }
0xf: {  	[smem:$0x3FAE] =	sst s7  }
0x10: {  	[smem:$0x3FAF] =	sst s8  }
0x11: {  	[smem:$0x3FB0] =	sst s9;
	s0 =	simm.s32 @!p0 $0x0  }
0x12: {  	s1 =	sld [smem:$0x3F96];
	s0 =	simm.s32 @p0 $0x1  }
0x13: {  	[smem:$0x3FB1] =	sst s0;
	s0 =	simm.s32 @!p1 $0x0  }
0x14: {  	s2 =	sld [smem:$0x3F95];
	s0 =	simm.s32 @p1 $0x1  }
0x15: {  	[smem:$0x3FB2] =	sst s0;
	s0 =	simm.s32 @!p2 $0x0  }
0x16: {  	s3 =	sld [smem:$0x3FDB];
	s0 =	simm.s32 @p2 $0x1  }
0x17: {  	s4 =	simm.s32 $0x1BF5;
	[smem:$0x3FB4] =	sst s0  }
0x18: {  	s0 =	sld [smem:$0x3F97];
	_ =	swait.ge [sflag:s4], $0x0  }
0x19: {  	s7 =	sld [smem:$0x3F98]  }
0x1a: {  	s8 =	sadd.s32 $0xFFFFE003, lr  }
0x1b: {  	s9 =	sadd.s32 $0xFFFFFEF7, lr;
	s5 =	simm.s32 $0xFFFFFFFF;
	p2 =	slt.u32 s8, $0xFFFFF086  }
0x1c: {  	p1 =	slt.u32 s9, $0xF7A;
	s5 =	simm.s32 @!p2 $0x0  }
0x1d: {  	s5 =	simm.s32 @p1 $0x1;
	p0 =	seq.s32 s7, s2  }
0x1e: {  	s7 =	smul.u32 @!p0 $0xF7A, s2;
	p2 =	seq.s32 @!p0 s5, $0x0  }
0x1f: {  	s9 =	smul.u32 $0xF7A, s1;
	s8 =	simm.s32 @!p0 $0x1BF5;
	p2 =	por !p2, p0  }
0x20: {  	[sflag:s8] =	ssyncset.s32 @!p0 $0xFFFFF086;
	s6 =	sadd.s32 @!p0 s3, s7;
	s7 =	simm.s32 @!p0 $0x108  }
0x21: {  	s3 =	sadd.s32 s3, s9;
	s6 =	sadd.s32 @!p0 $0x88, s6;
	s7 =	simm.s32 @p2 $0x1082  }
0x22: {  	[simem:s7], [sflag:s8] =	dma.local @!p0 [hbm:s6], $0xF7A  }
0x23: {  	s9 =	sor.u32 $0xD0000000, s2;
	s6 =	simm.s32 $0x108;
	_ =	swait.ge @!p0 [sflag:s8], $0x0  }
0x24: {  	s3 =	sadd.s32 $0x88, s3;
	s6 =	simm.s32 @!p1 $0x1082;
	[sflag:s4] =	ssyncset.s32 $0xFFFFF086  }
0x25: {  	[simem:s6], [sflag:s4] =	dma.local [hbm:s3], $0xF7A  }
0x26: {  	[smem:$0x3F98] =	sst s1;
	(tag) =	ssettag s2;
	_ =	strace s9  }
0x27: {  	s1 =	sld [smem:$0x3FA8]  }
0x28: {  	s2 =	sld [smem:$0x3FA9]  }
0x29: {  	s4 =	sld [smem:$0x3FAB]  }
0x2a: {  	p0 =	seq.s32 s5, $0x0;
	s5 =	sld [smem:$0x3FAC]  }
0x2b: {  	s6 =	sld [smem:$0x3FAD]  }
0x2c: {  	s7 =	sld [smem:$0x3FAE]  }
0x2d: {  	s3 =	simm.s32 $0x108;
	s8 =	sld [smem:$0x3FAF]  }
0x2e: {  	s3 =	simm.s32 @!p0 $0x1082;
	s9 =	sld [smem:$0x3FB0]  }
0x2f: {  	lr =	sadd.s32 s0, s3;
	s0 =	sld [smem:$0x3FA7]  }
0x30: {  	s3 =	sld [smem:$0x3FAA]  }
0x31: {  	[smem:$0x3FB3] =	sst s10  }
0x32: {  	s10 =	sld [smem:$0x3FB1];
	_ =	sdelay $0x3  }
0x33: {  	p0 =	seq.s32 s10, $0x1;
	s10 =	sld [smem:$0x3FB3];
	_ =	sdelay $0x3  }
0x34: {  	[smem:$0x3FB3] =	sst s10  }
0x35: {  	s10 =	sld [smem:$0x3FB2];
	_ =	sdelay $0x3  }
0x36: {  	p1 =	seq.s32 s10, $0x1;
	s10 =	sld [smem:$0x3FB3];
	_ =	sdelay $0x3  }
0x37: {  	[smem:$0x3FB3] =	sst s10  }
0x38: {  	s10 =	sld [smem:$0x3FB4]  }
0x39: {  	_ = 	snop;
	(pc) =	sbr.ind lr, $3  }
0x3a: {  	_ = 	snop  }
0x3b: {  	_ = 	snop  }
0x3c: {  	p2 =	seq.s32 s10, $0x1;
	s10 =	sld [smem:$0x3FB3]  }
0x3d: {  	_ =	shalt  }
0x3e: {  	_ =	shalt  }
0x3f: {  	_ =	shalt  }
0x40: {  	_ =	shalt  }
0x41: {  	_ =	shalt  }
0x42: {  	_ =	shalt  }
0x43: {  	_ =	shalt  }
0x44: {  	_ =	shalt  }
0x45: {  	_ =	shalt  }
0x46: {  	_ =	shalt  }
0x47: {  	_ =	shalt  }
0x48: {  	_ =	shalt  }
0x49: {  	_ =	shalt  }
0x4a: {  	_ =	shalt  }
0x4b: {  	_ =	shalt  }
0x4c: {  	_ =	shalt  }
0x4d: {  	_ =	shalt  }
0x4e: {  	_ =	shalt  }
0x4f: {  	_ =	shalt  }
0x50: {  	_ =	shalt  }
0x51: {  	_ =	shalt  }
0x52: {  	_ =	shalt  }
0x53: {  	_ =	shalt  }
0x54: {  	_ =	shalt  }
0x55: {  	_ =	shalt  }
0x56: {  	_ =	shalt  }
0x57: {  	_ =	shalt  }
0x58: {  	_ =	shalt  }
0x59: {  	_ =	shalt  }
0x5a: {  	_ =	shalt  }
0x5b: {  	_ =	shalt  }
0x5c: {  	_ =	shalt  }
0x5d: {  	_ =	shalt  }
0x5e: {  	_ =	shalt  }
0x5f: {  	_ =	shalt  }
0x60: {  	_ =	shalt  }
0x61: {  	_ =	shalt  }
0x62: {  	_ =	shalt  }
0x63: {  	_ =	shalt  }
0x64: {  	_ =	shalt  }
0x65: {  	_ =	shalt  }
0x66: {  	_ =	shalt  }
0x67: {  	_ =	shalt  }
0x68: {  	_ =	shalt  }
0x69: {  	_ =	shalt  }
0x6a: {  	_ =	shalt  }
0x6b: {  	_ =	shalt  }
0x6c: {  	_ =	shalt  }
0x6d: {  	_ =	shalt  }
0x6e: {  	_ =	shalt  }
0x6f: {  	_ =	shalt  }
0x70: {  	_ =	shalt  }
0x71: {  	_ =	shalt  }
0x72: {  	_ =	shalt  }
0x73: {  	_ =	shalt  }
0x74: {  	_ =	shalt  }
0x75: {  	_ =	shalt  }
0x76: {  	_ =	shalt  }
0x77: {  	_ =	shalt  }
0x78: {  	_ =	shalt  }
0x79: {  	_ =	shalt  }
0x7a: {  	_ =	shalt  }
0x7b: {  	_ =	shalt  }
0x7c: {  	_ =	shalt  }
0x7d: {  	_ =	shalt  }
0x7e: {  	_ =	shalt  }
0x7f: {  	_ =	shalt  }
0x80: {  	_ =	shalt  }
0x81: {  	_ =	shalt  }
0x82: {  	_ =	shalt  }
0x83: {  	_ =	shalt  }
0x84: {  	_ =	shalt  }
0x85: {  	_ =	shalt  }
0x86: {  	_ =	shalt  }
0x87: {  	_ =	shalt  }
.Lfunc_end0:
.L_simem_size_0:
called_computation_lowered:
.L_overlay_start_0:
0x88: {  	s2 =	sld [smem:$0x3FD9]  }
0x89: {  	s3 =	sld [smem:$0x3FFE];
	_ =	sdelay $0x1  }
0x8a: {  	s1 =	srdreg.scid  }
0x8b: {  	s0 =	sand.u32 $0x1, s1  }
0x8c: {  	s16 =	sshll.u32 s0, $0xA;
	s2 =	sadd.s32 s3, s2  }
0x8d: {  	s2 =	sadd.s32 s2, s16  }
0x8e: {  	[smem:$0x3FBF] =	sst s2  }
0x8f: {  	_ = 	snop  }
0x90: {  	(tm) =	ssettm $0x1  }
0x91: {  	s17 =	sld [smem:$0x3FFB];
	_ =	sdelay $0x3  }
0x92: {  	_ =	strace s17  }
0x93: {  	s2 =	sld [smem:$0x3FFC];
	_ =	sdelay $0x3  }
0x94: {  	_ =	strace s2  }
0x95: {  	s2 =	sld [smem:$0x3FFD];
	_ =	sdelay $0x3  }
0x96: {  	_ =	strace s2  }
0x97: {  	_ =	strace $0x8FFFFFFF  }
0x98: {  	s18 =	sld [smem:$0x3FDB];
	_ =	sdelay $0x1  }
0x99: {  	s19 =	simm.s32 $_scs_section_size  }
0x9a: {  	s4 =	simm.s32 $_size__tile_overlayer_lowered;
	s5 =	simm.s32 $_tile_overlayer_lowered  }
0x9b: {  	s22 =	simm.s32 $0x1BFF;
	s21 =	sshll.u32 s5, $0x1;
	s2 =	sadd.s32 s19, s18  }
0x9c: {  	s6 =	simm.s32 $0x0;
	s20 =	sshll.u32 s4, $0x1;
	s4 =	sadd.s32 s21, s2  }
0x9d: {  	[timem:s6], [sflag:s22] =	dma.local [hbm:s4], s20  }
0x9e: {  	_ =	swait.ge [sflag:s22], s20  }
0x9f: {  	s3 =	ssub.s32 $0x0, s20;
	[sflag:s22] =	ssyncset.done $0x0  }
0xa0: {  	[sflag:s22] =	ssyncadd.s32 s3;
	_ =	sdelay $0x1  }
0xa1: {  	s23 =	simm.s32 $0x1B8B  }
0xa2: {  	_ =	swait.ge [sflag:s23], $0x1  }
0xa3: {  	[sflag:s23] =	ssyncset.done $0x0  }
0xa4: {  	s25 =	simm.s32 $0x1B8E;
	s24 =	sld [smem:$0x3FFE];
	[sflag:s23] =	ssyncadd.s32 $0xFFFFFFFF  }
0xa5: {  	s26 =	simm.s32 $execute0_lowered;
	[smem:$0x3FD2] =	sst s25  }
0xa6: {  	s4 =	sshll.u32 s26, $0x1;
	_ =	strace $0x80000046;
	[dreg:$0x1] =	wrdreg $0xFFFFFFFF  }
0xa7: {  	s28 =	simm.s32 $_size_execute0_lowered;
	s2 =	sadd.s32 s2, s4;
	[dreg:$0x0] =	wrdreg $0x0  }
0xa8: {  	s4 =	sshll.u32 s28, $0x1;
	[dreg:$0x2] =	wrdreg s2  }
0xa9: {  	[dreg:$0x3] =	wrdreg s4  }
0xaa: {  	[dreg:$0x4] =	wrdreg $0xC0  }
0xab: {  	_ =	task [dreg:s6], $0x5FFFF  }
0xac: {  	[dreg:$0x1] =	wrdreg $0xFFFFFFFF  }
0xad: {  	[dreg:$0x0] =	wrdreg $0x60  }
0xae: {  	[dreg:$0x2] =	wrdreg s24  }
0xaf: {  	[dreg:$0x3] =	wrdreg $0x9  }
0xb0: {  	_ =	task.clear_ibuf [dreg:s6], $0x4FFFF;
	_ =	strace $0x90000046  }
0xb1: {  	s29 =	simm.s32 $0x9;
	_ =	strace $0x80000048  }
0xb2: {  	_ =	swait.ge [sflag:s29], $0x1  }
0xb3: {  	[sflag:s29] =	ssyncadd.s32 $0xFFFFFFFF  }
0xb4: {  	_ =	strace $0x90000048  }
0xb5: {  	_ =	sfence  }
0xb6: {  	s30 =	sld [smem:$0x0];
	_ =	sdelay $0x2  }
0xb7: {  	s31 =	sshll.u32 s1, $0xD;
	s1 =	sshrl.u32 s1, $0x2  }
0xb8: {  	s3 =	sand.u32 $0x4000, s31;
	s1 =	sadd.s32 s1, s30  }
0xb9: {  	s0 =	sor.u32 s3, s0;
	s1 =	sshll.u32 s1, $0x11  }
0xba: {  	s0 =	sor.u32 s1, s0  }
0xbb: {  	s0 =	sadd.s32 $0x8F2B, s0  }
0xbc: {  	[sflag:s0] =	ssyncadd.remote.s32 $0x1  }
0xbd: {  	_ =	sfence.sel $0xFFFF  }
0xbe: {  	[dreg:$0x0] =	wrdreg $0xFFFFFFFF;
	(pc) =	sbr.abs _section_cstart, $3  }
0xbf: {  	[dreg:$0x1] =	wrdreg $0xFFFFFFFF  }
0xc0: {  	_ =	task.clear_ibuf [dreg:s6], $0x2FFFF;
	_ =	strace $0x9FFFFFFF  }
0xc1: {  	(tm) =	ssettm $0x7FFFFFFF  }
tec
execute0_lowered:
.L_overlay_start_1:
0x0: {  	(tag) =	ssettag $0x1  }
0x1: {  	s0 =	srdreg.scid  }
0x2: {  	s5 =	sand.u32 $0x1, s0;
	s0 =	stileid.u32  }
0x3: {  	s1 =	sor.u32 s5, s0  }
0x4: {  	p1 =	seq.s32 s5, $0x1;
	p0 =	seq.s32 s1, $0x0  }
0x5: {  	p0 =	por !p0, !p1  }
0x6: {  	s3 =	simm.s32 $0x1;
	p0 =	por !p0, !p0  }
0x7: {  	s3 =	simm.s32 @!p0 $0x0  }
0x8: {  	s15 =	ssub.s32 s0, s3  }
0x9: {  	p0 =	sgt.s32 s15, $0xB  }
.Ltmp0:
0xa: {  	_ = 	snop;
	(pc) =	sbr.rel @p0 .LBB2_7-.Ltmp0, $4  }
0xb: {  	_ = 	snop  }
0xc: {  	s6 =	rddreg [dreg:$0x0];
	s2 =	simm.s32 $0x0  }
0xd: {  	[smem:$0x7FF] =	sst s2  }
0xe: {  	s1 =	rddreg [dreg:$0x1];
	_ =	strace $0x80000047;
	s3 =	simm.s32 $0x1  }
0xf: {  	s4 =	sshll.u32 s15, $0xB  }
0x10: {  	s7 =	sshll.u32 s15, $0x7;
	s25 =	sshll.u32 s15, $0x10;
	s8 =	sshll.u32 s5, $0xF  }
0x11: {  	s9 =	sadd.s32 $0x61E00, s6;
	s12 =	sshll.u32 s5, $0x8;
	s29 =	ssub.s32 $0x2, s5  }
0x12: {  	v3 =	vmov s15;
	s15 =	simm.s32 $0x1280;
	s16 =	simm.s32 $0x5300;
	s17 =	simm.s32 $0x0  }
0x13: {  	s4 =	sand.u32 $0xFFFFC000, s4;
	s7 =	sand.u32 $0x380, s7;
	s30 =	sadd.s32 $0x100, s12  }
0x14: {  	s11 =	sshrl.u32 s29, $0x1;
	s13 =	scvt.s32.f32 s12;
	v2 =	vmov s12;
	s12 =	simm.s32 $0x1000  }
0x15: {  	s4 =	sor.u32 s7, s4;
	s7 =	sor.u32 s8, s25;
	s14 =	scvt.s32.f32 s30  }
0x16: {  	s31 =	ssub.s32 s29, s11;
	s11 =	simm.s32 $0x2;
	s10 =	sshrl.u32 s4, $0x3  }
0x17: {  	s4 =	sadd.s32 $0x1E00, s6;
	s7 =	sshrl.u32 s7, $0x3;
	s8 =	smax.u32 s31, $0x1  }
0x18: {  	v0 =	vmov s13;
	s13 =	simm.s32 $0x1200;
	s26 =	sadd.s32 s10, s6;
	s28 =	sadd.s32 s7, s6  }
0x19: {  	v4 =	vlaneseq.u32;
	s7 =	sadd.s32 s9, s10;
	s9 =	simm.s32 $0x80;
	s10 =	simm.s32 $0x400  }
0x1a: {  	v5 =	vimm.s32 $0x0;
	v4 =	vmul.u32 $0xC, v4;
	v1 =	vmov s14;
	s14 =	simm.s32 $0x1300;
	s5 =	sadd.s32 $0x62E00, s26;
	s6 =	sadd.s32 $0x63E00, s28  }
.LBB2_2:
0x1b: {  	s18 =	simm.s32 $0x0  }
0x1c: {  	[tilespmem:s18], [sflag:$0x2] =	stream.strided.gather [hbm4b:s7+s9], $0x800, s10, s9, $0x38;
	[tilespmem:$0x9300] =	vst v63  }
0x1d: {  	_ =	swait.ge [sflag:s11], $0x800  }
0x1e: {  	[sflag:s11] =	ssyncset.done $0x0  }
0x1f: {  	s19 =	simm.s32 $0x800;
	[sflag:s11] =	ssyncadd.s32 $0xFFFFF800  }
0x20: {  	[tilespmem:s19], [sflag:$0x2] =	stream.strided.gather [hbm4b:s5+s9], $0x800, s10, s9, $0x38;
	[tilespmem:$0x9300] =	vst v63  }
0x21: {  	_ =	swait.ge [sflag:s11], $0x800  }
0x22: {  	[sflag:s11] =	ssyncset.done $0x0  }
0x23: {  	[sflag:s11] =	ssyncadd.s32 $0xFFFFF800  }
0x24: {  	v6 =	vld [tilespmem:s19+$0x0];
	_ =	sdelay $0x1  }
0x25: {  	v7 =	vld [tilespmem:s18+$0x0];
	_ =	sdelay $0x1  }
0x26: {  	v8 =	vmov s18  }
0x27: {  	v8 =	vmul.u32 $0xC, v8;
	v9 =	vtrunc.f32 v6  }
0x28: {  	v9 =	vcvt.f32.s32 v9  }
0x29: {  	vm0 =	vgt.f32 v7, $5.000000000e-01;
	vm1 =	vge.f32 v6, v0;
	v7 =	vadd.s32 v3, v8  }
0x2a: {  	vm15 =	vlt.f32 v6, v1;
	vm0 =	vmand vm0, vm1;
	v6 =	vsub.s32 v9, v2  }
0x2b: {  	vm0 =	vmand vm15, vm0;
	v8 =	vand.u32 $0x7F, v9;
	v6 =	vand.u32 $0xFFFFFF80, v6  }
0x2c: {  	v7 =	vbroadcast v7, $0x0;
	v6 =	vor.u32 v8, v6;
	_ =	sdelay $0x1  }
0x2d: {  	v7 =	vadd.s32 v4, v7  }
0x2e: {  	v7 =	vcvt.s32.f32 v7;
	_ =	sdelay $0x1  }
0x2f: {  	s20 =	simm.s32 $0x810;
	[tilespmem:v6+s12+$0x0] =	vst.idx.msk vm0, v7  }
0x30: {  	s21 =	simm.s32 $0x20;
	s19 =	simm.s32 $0x10;
	v6 =	vld [tilespmem:s20+$0x0]  }
.LBB2_3:
0x31: {  	p0 =	sne.s32 s21, $0x7F0;
	s18 =	sadd.s32 $0x10, s18  }
0x32: {  	v7 =	vld [tilespmem:s18+$0x0];
	_ =	sdelay $0x1  }
0x33: {  	v8 =	vmov s19;
	s19 =	smov.u32 s21  }
0x34: {  	v8 =	vmul.u32 $0xC, v8;
	v9 =	vtrunc.f32 v6  }
0x35: {  	v9 =	vcvt.f32.s32 v9  }
0x36: {  	vm1 =	vge.f32 v6, v0;
	vm0 =	vgt.f32 v7, $5.000000000e-01;
	v7 =	vadd.s32 v3, v8  }
0x37: {  	vm0 =	vmand vm0, vm1;
	vm1 =	vlt.f32 v6, v1;
	v6 =	vsub.s32 v9, v2  }
0x38: {  	v8 =	vand.u32 $0x7F, v9;
	vm0 =	vmand vm1, vm0;
	v6 =	vand.u32 $0xFFFFFF80, v6  }
0x39: {  	v7 =	vbroadcast v7, $0x0;
	v6 =	vor.u32 v8, v6;
	_ =	sdelay $0x1  }
.Ltmp1:
0x3a: {  	v7 =	vadd.s32 v4, v7;
	(pc) =	sbr.rel @p0 .LBB2_3-.Ltmp1, $3  }
0x3b: {  	v7 =	vcvt.s32.f32 v7;
	_ =	sdelay $0x1  }
0x3c: {  	s20 =	sadd.s32 $0x10, s20;
	[tilespmem:v6+s12+$0x0] =	vst.idx.msk vm0, v7  }
0x3d: {  	s21 =	sadd.s32 $0x10, s21;
	v6 =	vld [tilespmem:s20+$0x0]  }
0x3e: {  	s18 =	sadd.s32 $0x10, s18  }
0x3f: {  	v7 =	vld [tilespmem:s18+$0x0];
	_ =	sdelay $0x1  }
0x40: {  	v8 =	vmov s19  }
0x41: {  	v8 =	vmul.u32 $0xC, v8;
	v9 =	vtrunc.f32 v6  }
0x42: {  	v9 =	vcvt.f32.s32 v9  }
0x43: {  	vm1 =	vge.f32 v6, v0;
	vm0 =	vgt.f32 v7, $5.000000000e-01;
	v7 =	vadd.s32 v3, v8  }
0x44: {  	vm0 =	vmand vm0, vm1;
	vm1 =	vlt.f32 v6, v1;
	v6 =	vsub.s32 v9, v2  }
0x45: {  	v8 =	vand.u32 $0x7F, v9;
	vm0 =	vmand vm1, vm0;
	v6 =	vand.u32 $0xFFFFFF80, v6  }
0x46: {  	v7 =	vbroadcast v7, $0x0;
	v6 =	vor.u32 v8, v6;
	_ =	sdelay $0x1  }
0x47: {  	v7 =	vadd.s32 v4, v7  }
0x48: {  	v7 =	vcvt.s32.f32 v7;
	_ =	sdelay $0x1  }
0x49: {  	s19 =	simm.s32 $0x0;
	[tilespmem:v6+s12+$0x0] =	vst.idx.msk vm0, v7  }
0x4a: {  	v6 =	vld [tilespmem:s19+$0x1000];
	_ =	sdelay $0x4  }
0x4b: {  	s18 =	simm.s32 $0x10;
	v6 =	vtrunc.f32 v6  }
0x4c: {  	v7 =	vcvt.f32.s32 v6;
	v6 =	vld [tilespmem:s18+$0x1000];
	_ =	sdelay $0x1  }
0x4d: {  	v8 =	vand.u32 $0x1, v7  }
0x4e: {  	v63 =	vshrl.u32 v7, $0x1F;
	vm0 =	vlt.s32 v7, $0x1;
	vm1 =	veq.s32 v8, $0x1  }
0x4f: {  	s20 =	simm.s32 $0x80;
	[tilespmem:s19+$0x1100] =	vst v7;
	v7 =	vadd.s32 v63, v7;
	vm0 =	vmand vm0, vm1  }
.LBB2_5:
0x50: {  	s21 =	sshra.s32 s20, $0x2;
	p0 =	sne.s32 s20, $0x3C0;
	s20 =	sadd.s32 $0x40, s20;
	v8 =	vtrunc.f32 v6;
	v7 =	vshra.s32 v7, $0x1;
	v9 =	vsel vm0, $0xFFFFFFFF, v5  }
.Ltmp2:
0x51: {  	v6 =	vld [tilespmem:s21+$0x1000];
	v8 =	vcvt.f32.s32 v8;
	v7 =	vadd.s32 v9, v7;
	(pc) =	sbr.rel @p0 .LBB2_5-.Ltmp2, $4  }
0x52: {  	[tilespmem:s19+$0x1200] =	vst v7;
	s19 =	smov.u32 s18;
	s18 =	smov.u32 s21  }
0x53: {  	[tilespmem:s19+$0x1100] =	vst v8;
	v7 =	vand.u32 $0x1, v8  }
0x54: {  	v9 =	vshrl.u32 v8, $0x1F;
	vm0 =	vlt.s32 v8, $0x1;
	vm1 =	veq.s32 v7, $0x1  }
0x55: {  	v7 =	vadd.s32 v9, v8;
	vm0 =	vmand vm0, vm1  }
0x56: {  	v6 =	vtrunc.f32 v6  }
0x57: {  	v6 =	vcvt.f32.s32 v6;
	_ =	sdelay $0x1  }
0x58: {  	v7 =	vshra.s32 v7, $0x1;
	v8 =	vsel vm0, $0xFFFFFFFF, v5;
	v9 =	vand.u32 $0x1, v6  }
0x59: {  	v61 =	vshrl.u32 v6, $0x1F;
	vm1 =	vlt.s32 v6, $0x1;
	vm15 =	veq.s32 v9, $0x1  }
0x5a: {  	v7 =	vadd.s32 v8, v7;
	v62 =	vadd.s32 v61, v6;
	vm0 =	vmand vm1, vm15  }
0x5b: {  	[tilespmem:s19+$0x1200] =	vst v7;
	v7 =	vshra.s32 v62, $0x1;
	v63 =	vsel vm0, $0xFFFFFFFF, v5  }
0x5c: {  	[tilespmem:s18+$0x1100] =	vst v6;
	v6 =	vadd.s32 v63, v7  }
0x5d: {  	[tilespmem:s18+$0x1200] =	vst v6  }
0x5e: {  	[tilespmem:s14], [sflag:$0x1] =	stream.indirect.gather [hbm4b:s4+s9], $0x80, s13, s9, $0xb8;
	[tilespmem:$0x9300] =	vst v63  }
0x5f: {  	_ =	swait.ge [sflag:s3], $0x4000  }
0x60: {  	[sflag:s3] =	ssyncset.done $0x0  }
0x61: {  	[sflag:s3] =	ssyncadd.s32 $0xFFFFC000  }
0x62: {  	[tilespmem:s16], [sflag:$0x1] =	stream.indirect.gather [hbm4b:s4+s9], $0x80, s15, s9, $0xb8;
	[tilespmem:$0x9300] =	vst v63  }
0x63: {  	s17 =	sadd.s32 $0x1, s17;
	_ =	swait.ge [sflag:s3], $0x4000  }
0x64: {  	p0 =	sne.s32 s17, s8;
	[sflag:s3] =	ssyncset.done $0x0  }
.Ltmp3:
0x65: {  	[sflag:s3] =	ssyncadd.s32 $0xFFFFC000;
	(pc) =	sbr.rel @p0 .LBB2_2-.Ltmp3, $4  }
0x66: {  	[hbm4b:s6+s2] =	stream.linear.scatter [tilespmem:s14], [sflag:$0x2], $0x8000, $0x38;
	[tilespmem:$0x9300] =	vst v63  }
0x67: {  	_ =	swait.ge [sflag:s11], $0x8000  }
0x68: {  	[sflag:s11] =	ssyncset.done $0x0  }
0x69: {  	[sflag:s11] =	ssyncadd.s32 $0xFFFF8000  }
.LBB2_7:
0x6a: {  	_ =	sfence.sel $0x180000  }
0x6b: {  	[bflag:$0x0] =	sbarrier.arrive $0xFFFF  }
0x6c: {  	p0 =	sne.s32 s0, $0x0;
	_ =	strace $0x90000047  }
0x6d: {  	s0 =	sadd.s32 @!p0 $0x100000, s1;
	[bflag:$0x2] =	sbarrier.arrive $0xFFFF  }
0x6e: {  	[sflag:s0] =	ssyncadd.tile.s32 @!p0 $0x1;
	_ =	shalt  }
.Lfunc_end2:
_tile_overlayer_lowered:
.L_overlay_start_2:
0x6f: {  	(tag) =	ssettag $0x2  }
0x70: {  	s0 =	rddreg [dreg:$0x0];
	s2 =	stileid.u32  }
0x71: {  	s1 =	rddreg [dreg:$0x1];
	p0 =	sne.s32 s2, $0x0  }
0x72: {  	s3 =	rddreg [dreg:$0x2];
	[bflag:$0x3] =	sbarrier.arrive $0xFFFF;
	s2 =	simm.s32 @!p0 $0x1C02  }
0x73: {  	[timem:s3], [sflag:s2] =	dma.local @!p0 [hbm:s0], s1  }
0x74: {  	s0 =	simm.s32 @!p0 $0x2  }
0x75: {  	_ =	swait.ge @!p0 [sflag:s0], s1  }
0x76: {  	s1 =	ssub.s32 @!p0 $0x0, s1;
	[sflag:s0] =	ssyncset.done @!p0 $0x0  }
0x77: {  	[sflag:s0] =	ssyncadd.s32 @!p0 s1  }
0x78: {  	[bflag:$0x3] =	sbarrier.arrive $0xFFFF  }
0x79: {  	_ =	shalt  }

</sc_bundles>
